<compile_context>
chip_gen: v7x
topology: tpu7x:2x2x1
jax: 0.10.2.dev20260603
libtpu: 0.0.44.dev20260713+nightly
codegen_flags: <defaults>
</compile_context>

<pallas_src>
import functools

import jax
import jax.numpy as jnp
from jax import lax
from jax.experimental import pallas as pl
from jax.experimental.pallas import tpu as pltpu
from jax.experimental.pallas import tpu_sc as plsc

E = 64
DIN = 768
DOUT = 768
T = 32768
BT = 256
CAP = T + E * BT
G = CAP // BT

NW = 32
CHUNK = 64
NCH = T // NW // CHUNK


def _make_row_shuffle(n_table, n_out, d):
    mesh = plsc.VectorSubcoreMesh(core_axis_name="c", subcore_axis_name="s")

    @functools.partial(
        pl.kernel,
        mesh=mesh,
        out_type=jax.ShapeDtypeStruct((n_out, d), jnp.float32),
        scratch_types=[
            pltpu.VMEM((NCH, CHUNK), jnp.int32),
            pltpu.VMEM((NCH, CHUNK), jnp.int32),
            pltpu.VMEM((2, CHUNK, d), jnp.float32),
            pltpu.SemaphoreType.DMA,
            pltpu.SemaphoreType.DMA,
            pltpu.SemaphoreType.DMA,
        ],
    )
    def k(table_hbm, src_hbm, dst_hbm, out_hbm, src_v, dst_v, rows_v,
          isem, gsem, ssem):
        wid = lax.axis_index("s") * 2 + lax.axis_index("c")
        row0 = wid * NCH
        pltpu.async_copy(src_hbm.at[pl.ds(row0, NCH)], src_v, isem)
        pltpu.async_copy(dst_hbm.at[pl.ds(row0, NCH)], dst_v, isem).wait()
        pltpu.make_async_copy(src_hbm.at[pl.ds(row0, NCH)], src_v, isem).wait()

        pltpu.async_copy(table_hbm.at[src_v.at[0]], rows_v.at[0], gsem).wait()

        def body(c, _):
            buf = lax.rem(c, 2)
            nxt = lax.rem(c + 1, 2)

            @pl.when(c + 1 < NCH)
            def _():
                pltpu.async_copy(
                    table_hbm.at[src_v.at[c + 1]], rows_v.at[nxt], gsem
                )

            pltpu.async_copy(
                rows_v.at[buf], out_hbm.at[dst_v.at[c]], ssem
            ).wait()

            @pl.when(c + 1 < NCH)
            def _():
                pltpu.make_async_copy(
                    table_hbm.at[src_v.at[0]], rows_v.at[nxt], gsem
                ).wait()

            return ()

        lax.fori_loop(0, NCH, body, (), unroll=False)

    return k


_shuffle_in = _make_row_shuffle(T, CAP, DIN)
_shuffle_out = _make_row_shuffle(CAP, T, DOUT)


def _mm_body(bx_ref, be_ref, x_ref, w_ref, y_ref):
    y_ref[...] = lax.dot_general(
        x_ref[...], w_ref[0],
        dimension_numbers=(((1,), (1,)), ((), ())),
        preferred_element_type=jnp.float32,
    )


_grouped_mm = pl.pallas_call(
    _mm_body,
    grid_spec=pltpu.PrefetchScalarGridSpec(
        num_scalar_prefetch=2,
        grid=(G,),
        in_specs=[
            pl.BlockSpec((BT, DIN), lambda g, bx, be: (bx[g], 0)),
            pl.BlockSpec((1, DOUT, DIN), lambda g, bx, be: (be[g], 0, 0)),
        ],
        out_specs=pl.BlockSpec((BT, DOUT), lambda g, bx, be: (bx[g], 0)),
    ),
    out_shape=jax.ShapeDtypeStruct((CAP, DOUT), jnp.float32),
    compiler_params=pltpu.CompilerParams(
        dimension_semantics=("arbitrary",),
    ),
)


def kernel(inp, gate, weight):
    gate = gate.astype(jnp.int32)
    k = jnp.arange(T, dtype=jnp.int32)
    key = jnp.sort((gate << 16) | k)
    s = key & 0xFFFF
    sg = key >> 16
    counts = jnp.bincount(gate, length=E).astype(jnp.int32)
    raw_off = jnp.concatenate([jnp.zeros((1,), jnp.int32),
                               jnp.cumsum(counts)[:-1].astype(jnp.int32)])
    padded = ((counts + BT - 1) // BT) * BT
    pad_off = jnp.concatenate([jnp.zeros((1,), jnp.int32),
                               jnp.cumsum(padded)[:-1].astype(jnp.int32)])
    inc = padded - counts
    bnd = raw_off[1:]
    dest = k + jnp.sum(
        (bnd[None, :] <= k[:, None]) * inc[None, :-1],
        axis=1, dtype=jnp.int32)
    cum_blocks = jnp.cumsum(padded // BT).astype(jnp.int32)
    g_ids = jnp.arange(G, dtype=jnp.int32)
    block_expert = jnp.sum(
        cum_blocks[None, :] <= g_ids[:, None], axis=1, dtype=jnp.int32)
    block_expert = jnp.minimum(block_expert, E - 1)
    valid = g_ids < cum_blocks[-1]
    bxa = jnp.where(valid, g_ids, 0)
    bea = jnp.where(valid, block_expert, block_expert[0])

    s2d = s.reshape(T // CHUNK, CHUNK)
    d2d = dest.reshape(T // CHUNK, CHUNK)

    x_pad = _shuffle_in(inp, s2d, d2d)
    y_pad = _grouped_mm(bxa, bea, x_pad, weight)
    out = _shuffle_out(y_pad, d2d, s2d)
    return out

# --- scband reference (transcript-rebuilt; emitter-appended) ---
"""Pipeline reference for scband-moelayer-30597347017387 (READ-ONLY COPY).

The authoritative reference and input builder live on the scoring server;
editing this copy changes nothing except your own understanding.
"""

import jax, jax.numpy as jnp
import numpy as np

NUM_EXPERT = 64
IN_FEAT = 768
OUT_FEAT = 768
TOKENS = 32768

def setup_inputs(seed: int = 0) -> dict:
    key = jax.random.key(seed)
    k1, k2, k3 = jax.random.split(key, 3)
    inp = jax.random.normal(k1, (TOKENS, IN_FEAT), dtype=jnp.float32)
    gate = jax.random.randint(k2, (TOKENS,), 0, NUM_EXPERT, dtype=jnp.int32)
    # weight initialized like nn.Linear (kaiming uniform ~ U[-1/sqrt(in), 1/sqrt(in)])
    bound = 1.0 / np.sqrt(IN_FEAT)
    weight = jax.random.uniform(k3, (NUM_EXPERT, OUT_FEAT, IN_FEAT), dtype=jnp.float32, minval=-bound, maxval=bound)
    return {"inp": inp, "gate": gate, "weight": weight}

def reference(inp, gate, weight):
    # MOEFunction.forward: for each token i, output[i] = weight[gate[i]] @ inp[i]
    w_per_tok = jnp.take(weight, gate, axis=0)          # [T, out_feat, in_feat] gather
    out = jnp.einsum('toi,ti->to', w_per_tok, inp)      # per-token expert matmul
    return out

if __name__ == "__main__":
    import jax
    _d = setup_inputs()
    print(jax.jit(kernel)(*tuple(_d.values())))

</pallas_src>

<mosaic_0001>
#map = affine_map<(d0, d1) -> (0, 0)>
module attributes {stable_mosaic.version = 14 : i64} {
  func.func @k(%arg0: i32, %arg1: i32, %arg2: memref<49152x768xf32, #tpu.memory_space<hbm>>, %arg3: memref<512x64xi32, #tpu.memory_space<hbm>>, %arg4: memref<512x64xi32, #tpu.memory_space<hbm>>, %arg5: memref<32768x768xf32, #tpu.memory_space<hbm>>, %arg6: memref<16x64xi32, #tpu.memory_space<vmem>>, %arg7: memref<16x64xi32, #tpu.memory_space<vmem>>, %arg8: memref<2x64x768xf32, #tpu.memory_space<vmem>>, %arg9: memref<!tpu.dma_semaphore, #tpu.memory_space<semaphore_mem>>, %arg10: memref<!tpu.dma_semaphore, #tpu.memory_space<semaphore_mem>>, %arg11: memref<!tpu.dma_semaphore, #tpu.memory_space<semaphore_mem>>) attributes {dimension_semantics = [#tpu.dimension_semantics<core_parallel>, #tpu.dimension_semantics<subcore_parallel>], iteration_bounds = array<i64: 2, 16>, scalar_prefetch = 0 : i64, scratch_operands = 6 : i64, tpu.core_type = #tpu.core_type<sc_vector_subcore>, window_params = [{transform_indices = #map}, {transform_indices = #map}, {transform_indices = #map}, {transform_indices = #map}]} {
    %mul3A = arith.constant 2 : i32
    %mul3A_0 = arith.muli %arg1, %mul3A : i32
    %add3A = arith.addi %mul3A_0, %arg0 : i32
    %mul3A_1 = arith.constant 16 : i32
    %mul3A_2 = arith.muli %add3A, %mul3A_1 : i32
    %dma_start3A = arith.constant 0 : i32
    %dma_start3A_3 = tpu.memref_slice %arg3[%mul3A_2, %dma_start3A] : memref<512x64xi32, #tpu.memory_space<hbm>> -> memref<16x64xi32, #tpu.memory_space<hbm>>
    %dma_start3A_4 = arith.constant 0 : i32
    %dma_start3A_5 = tpu.memref_slice %arg3[%mul3A_2, %dma_start3A_4] : memref<512x64xi32, #tpu.memory_space<hbm>> -> memref<16x64xi32, #tpu.memory_space<hbm>>
    tpu.enqueue_dma source(%dma_start3A_5 : memref<16x64xi32, #tpu.memory_space<hbm>>) target(%arg6 : memref<16x64xi32, #tpu.memory_space<vmem>>) target_semaphore(%arg9 : memref<!tpu.dma_semaphore, #tpu.memory_space<semaphore_mem>>)
    %dma_start3A_6 = arith.constant 0 : i32
    %dma_start3A_7 = tpu.memref_slice %arg4[%mul3A_2, %dma_start3A_6] : memref<512x64xi32, #tpu.memory_space<hbm>> -> memref<16x64xi32, #tpu.memory_space<hbm>>
    %dma_start3A_8 = arith.constant 0 : i32
    %dma_start3A_9 = tpu.memref_slice %arg4[%mul3A_2, %dma_start3A_8] : memref<512x64xi32, #tpu.memory_space<hbm>> -> memref<16x64xi32, #tpu.memory_space<hbm>>
    tpu.enqueue_dma source(%dma_start3A_9 : memref<16x64xi32, #tpu.memory_space<hbm>>) target(%arg7 : memref<16x64xi32, #tpu.memory_space<vmem>>) target_semaphore(%arg9 : memref<!tpu.dma_semaphore, #tpu.memory_space<semaphore_mem>>)
    %dma_wait3A = arith.constant 0 : i32
    %dma_wait3A_10 = tpu.memref_slice %arg4[%mul3A_2, %dma_wait3A] : memref<512x64xi32, #tpu.memory_space<hbm>> -> memref<16x64xi32, #tpu.memory_space<hbm>>
    %dma_wait3A_11 = arith.constant 0 : i32
    %dma_wait3A_12 = tpu.memref_slice %arg4[%mul3A_2, %dma_wait3A_11] : memref<512x64xi32, #tpu.memory_space<hbm>> -> memref<16x64xi32, #tpu.memory_space<hbm>>
    tpu.wait_dma2 semaphore(%arg9 : memref<!tpu.dma_semaphore, #tpu.memory_space<semaphore_mem>>) src(%dma_wait3A_12 : memref<16x64xi32, #tpu.memory_space<hbm>>) dst(%arg7 : memref<16x64xi32, #tpu.memory_space<vmem>>)
    %dma_wait3A_13 = arith.constant 0 : i32
    %dma_wait3A_14 = tpu.memref_slice %arg3[%mul3A_2, %dma_wait3A_13] : memref<512x64xi32, #tpu.memory_space<hbm>> -> memref<16x64xi32, #tpu.memory_space<hbm>>
    %dma_wait3A_15 = arith.constant 0 : i32
    %dma_wait3A_16 = tpu.memref_slice %arg3[%mul3A_2, %dma_wait3A_15] : memref<512x64xi32, #tpu.memory_space<hbm>> -> memref<16x64xi32, #tpu.memory_space<hbm>>
    tpu.wait_dma2 semaphore(%arg9 : memref<!tpu.dma_semaphore, #tpu.memory_space<semaphore_mem>>) src(%dma_wait3A_16 : memref<16x64xi32, #tpu.memory_space<hbm>>) dst(%arg6 : memref<16x64xi32, #tpu.memory_space<vmem>>)
    %dma_start3A_17 = arith.constant 0 : i32
    %dma_start3A_18 = arith.constant 0 : i32
    %dma_start3A_19 = arith.constant 0 : i32
    %dma_start3A_20 = arith.constant 0 : i32
    %dma_start3A_21 = tpu.memref_slice %arg8[%dma_start3A_18, %dma_start3A_19, %dma_start3A_20] : memref<2x64x768xf32, #tpu.memory_space<vmem>> -> memref<1x64x768xf32, #tpu.memory_space<vmem>>
    %dma_start3A_22 = tpu.memref_squeeze %dma_start3A_21 : memref<1x64x768xf32, #tpu.memory_space<vmem>> -> memref<64x768xf32, #tpu.memory_space<vmem>>
    %dma_start3A_23 = arith.constant 0 : i32
    %dma_start3A_24 = tpu.memref_slice %arg6[%dma_start3A_17, %dma_start3A_23] : memref<16x64xi32, #tpu.memory_space<vmem>> -> memref<1x64xi32, #tpu.memory_space<vmem>>
    %dma_start3A_25 = tpu.memref_squeeze %dma_start3A_24 : memref<1x64xi32, #tpu.memory_space<vmem>> -> memref<64xi32, #tpu.memory_space<vmem>>
    %dma_start3A_26 = arith.constant 0 : i32
    %dma_start3A_27 = arith.constant 0 : i32
    %dma_start3A_28 = tpu.memref_slice %arg2[%dma_start3A_26, %dma_start3A_27] : memref<49152x768xf32, #tpu.memory_space<hbm>> -> memref<49152x768xf32, #tpu.memory_space<hbm>>
    tpu.enqueue_indirect_dma source(%dma_start3A_28 : memref<49152x768xf32, #tpu.memory_space<hbm>>) target(%dma_start3A_22 : memref<64x768xf32, #tpu.memory_space<vmem>>) offsets(%dma_start3A_25 : memref<64xi32, #tpu.memory_space<vmem>>) semaphore(%arg10 : memref<!tpu.dma_semaphore, #tpu.memory_space<semaphore_mem>>)
    %dma_wait3A_29 = arith.constant 0 : i32
    %dma_wait3A_30 = arith.constant 0 : i32
    %dma_wait3A_31 = arith.constant 0 : i32
    %dma_wait3A_32 = arith.constant 0 : i32
    %dma_wait3A_33 = tpu.memref_slice %arg8[%dma_wait3A_30, %dma_wait3A_31, %dma_wait3A_32] : memref<2x64x768xf32, #tpu.memory_space<vmem>> -> memref<1x64x768xf32, #tpu.memory_space<vmem>>
    %dma_wait3A_34 = tpu.memref_squeeze %dma_wait3A_33 : memref<1x64x768xf32, #tpu.memory_space<vmem>> -> memref<64x768xf32, #tpu.memory_space<vmem>>
    %dma_wait3A_35 = arith.constant 0 : i32
    %dma_wait3A_36 = tpu.memref_slice %arg6[%dma_wait3A_29, %dma_wait3A_35] : memref<16x64xi32, #tpu.memory_space<vmem>> -> memref<1x64xi32, #tpu.memory_space<vmem>>
    %dma_wait3A_37 = tpu.memref_squeeze %dma_wait3A_36 : memref<1x64xi32, #tpu.memory_space<vmem>> -> memref<64xi32, #tpu.memory_space<vmem>>
    %dma_wait3A_38 = arith.constant 0 : i32
    %dma_wait3A_39 = arith.constant 0 : i32
    %dma_wait3A_40 = tpu.memref_slice %arg2[%dma_wait3A_38, %dma_wait3A_39] : memref<49152x768xf32, #tpu.memory_space<hbm>> -> memref<49152x768xf32, #tpu.memory_space<hbm>>
    tpu.wait_indirect_dma semaphore(%arg10 : memref<!tpu.dma_semaphore, #tpu.memory_space<semaphore_mem>>) src(%dma_wait3A_40 : memref<49152x768xf32, #tpu.memory_space<hbm>>) dst(%dma_wait3A_34 : memref<64x768xf32, #tpu.memory_space<vmem>>)
    %scan3A = arith.constant 0 : i32
    %scan3A_41 = arith.constant 16 : i32
    %scan3A_42 = arith.addi %scan3A, %scan3A_41 : i32
    %scan3A_43 = arith.constant 1 : i32
    scf.for %scan3A_45 = %scan3A to %scan3A_42 step %scan3A_43  : i32 {
      %rem3A = arith.constant 2 : i32
      %rem3A_46 = arith.remsi %scan3A_45, %rem3A : i32
      %add3A_47 = arith.constant 1 : i32
      %add3A_48 = arith.addi %scan3A_45, %add3A_47 : i32
      %rem3A_49 = arith.constant 2 : i32
      %rem3A_50 = arith.remsi %add3A_48, %rem3A_49 : i32
      %add3A_51 = arith.constant 1 : i32
      %add3A_52 = arith.addi %scan3A_45, %add3A_51 : i32
      %lt3A = arith.constant 16 : i32
      %lt3A_53 = arith.cmpi slt, %add3A_52, %lt3A : i32
      %convert_element_type3A = arith.extui %lt3A_53 : i1 to i32
      %cond3A = arith.constant 0 : i32
      %cond3A_54 = arith.cmpi ne, %convert_element_type3A, %cond3A : i32
      scf.if %cond3A_54 {
        %add3A_82 = arith.constant 1 : i32
        %add3A_83 = arith.addi %scan3A_45, %add3A_82 : i32
        %dma_start3A_84 = arith.constant 0 : i32
        %dma_start3A_85 = arith.constant 0 : i32
        %dma_start3A_86 = tpu.memref_slice %arg8[%rem3A_50, %dma_start3A_84, %dma_start3A_85] : memref<2x64x768xf32, #tpu.memory_space<vmem>> -> memref<1x64x768xf32, #tpu.memory_space<vmem>>
        %dma_start3A_87 = tpu.memref_squeeze %dma_start3A_86 : memref<1x64x768xf32, #tpu.memory_space<vmem>> -> memref<64x768xf32, #tpu.memory_space<vmem>>
        %dma_start3A_88 = arith.constant 0 : i32
        %dma_start3A_89 = tpu.memref_slice %arg6[%add3A_83, %dma_start3A_88] : memref<16x64xi32, #tpu.memory_space<vmem>> -> memref<1x64xi32, #tpu.memory_space<vmem>>
        %dma_start3A_90 = tpu.memref_squeeze %dma_start3A_89 : memref<1x64xi32, #tpu.memory_space<vmem>> -> memref<64xi32, #tpu.memory_space<vmem>>
        %dma_start3A_91 = arith.constant 0 : i32
        %dma_start3A_92 = arith.constant 0 : i32
        %dma_start3A_93 = tpu.memref_slice %arg2[%dma_start3A_91, %dma_start3A_92] : memref<49152x768xf32, #tpu.memory_space<hbm>> -> memref<49152x768xf32, #tpu.memory_space<hbm>>
        tpu.enqueue_indirect_dma source(%dma_start3A_93 : memref<49152x768xf32, #tpu.memory_space<hbm>>) target(%dma_start3A_87 : memref<64x768xf32, #tpu.memory_space<vmem>>) offsets(%dma_start3A_90 : memref<64xi32, #tpu.memory_space<vmem>>) semaphore(%arg10 : memref<!tpu.dma_semaphore, #tpu.memory_space<semaphore_mem>>)
      } else {
      }
      %dma_start3A_55 = arith.constant 0 : i32
      %dma_start3A_56 = arith.constant 0 : i32
      %dma_start3A_57 = tpu.memref_slice %arg8[%rem3A_46, %dma_start3A_55, %dma_start3A_56] : memref<2x64x768xf32, #tpu.memory_space<vmem>> -> memref<1x64x768xf32, #tpu.memory_space<vmem>>
      %dma_start3A_58 = tpu.memref_squeeze %dma_start3A_57 : memref<1x64x768xf32, #tpu.memory_space<vmem>> -> memref<64x768xf32, #tpu.memory_space<vmem>>
      %dma_start3A_59 = arith.constant 0 : i32
      %dma_start3A_60 = tpu.memref_slice %arg7[%scan3A_45, %dma_start3A_59] : memref<16x64xi32, #tpu.memory_space<vmem>> -> memref<1x64xi32, #tpu.memory_space<vmem>>
      %dma_start3A_61 = tpu.memref_squeeze %dma_start3A_60 : memref<1x64xi32, #tpu.memory_space<vmem>> -> memref<64xi32, #tpu.memory_space<vmem>>
      %dma_start3A_62 = arith.constant 0 : i32
      %dma_start3A_63 = arith.constant 0 : i32
      %dma_start3A_64 = tpu.memref_slice %arg5[%dma_start3A_62, %dma_start3A_63] : memref<32768x768xf32, #tpu.memory_space<hbm>> -> memref<32768x768xf32, #tpu.memory_space<hbm>>
      tpu.enqueue_indirect_dma source(%dma_start3A_58 : memref<64x768xf32, #tpu.memory_space<vmem>>) target(%dma_start3A_64 : memref<32768x768xf32, #tpu.memory_space<hbm>>) offsets(%dma_start3A_61 : memref<64xi32, #tpu.memory_space<vmem>>) semaphore(%arg11 : memref<!tpu.dma_semaphore, #tpu.memory_space<semaphore_mem>>)
      %dma_wait3A_65 = arith.constant 0 : i32
      %dma_wait3A_66 = arith.constant 0 : i32
      %dma_wait3A_67 = tpu.memref_slice %arg8[%rem3A_46, %dma_wait3A_65, %dma_wait3A_66] : memref<2x64x768xf32, #tpu.memory_space<vmem>> -> memref<1x64x768xf32, #tpu.memory_space<vmem>>
      %dma_wait3A_68 = tpu.memref_squeeze %dma_wait3A_67 : memref<1x64x768xf32, #tpu.memory_space<vmem>> -> memref<64x768xf32, #tpu.memory_space<vmem>>
      %dma_wait3A_69 = arith.constant 0 : i32
      %dma_wait3A_70 = tpu.memref_slice %arg7[%scan3A_45, %dma_wait3A_69] : memref<16x64xi32, #tpu.memory_space<vmem>> -> memref<1x64xi32, #tpu.memory_space<vmem>>
      %dma_wait3A_71 = tpu.memref_squeeze %dma_wait3A_70 : memref<1x64xi32, #tpu.memory_space<vmem>> -> memref<64xi32, #tpu.memory_space<vmem>>
      %dma_wait3A_72 = arith.constant 0 : i32
      %dma_wait3A_73 = arith.constant 0 : i32
      %dma_wait3A_74 = tpu.memref_slice %arg5[%dma_wait3A_72, %dma_wait3A_73] : memref<32768x768xf32, #tpu.memory_space<hbm>> -> memref<32768x768xf32, #tpu.memory_space<hbm>>
      tpu.wait_indirect_dma semaphore(%arg11 : memref<!tpu.dma_semaphore, #tpu.memory_space<semaphore_mem>>) src(%dma_wait3A_68 : memref<64x768xf32, #tpu.memory_space<vmem>>) dst(%dma_wait3A_74 : memref<32768x768xf32, #tpu.memory_space<hbm>>)
      %add3A_75 = arith.constant 1 : i32
      %add3A_76 = arith.addi %scan3A_45, %add3A_75 : i32
      %lt3A_77 = arith.constant 16 : i32
      %lt3A_78 = arith.cmpi slt, %add3A_76, %lt3A_77 : i32
      %convert_element_type3A_79 = arith.extui %lt3A_78 : i1 to i32
      %cond3A_80 = arith.constant 0 : i32
      %cond3A_81 = arith.cmpi ne, %convert_element_type3A_79, %cond3A_80 : i32
      scf.if %cond3A_81 {
        %dma_wait3A_82 = arith.constant 0 : i32
        %dma_wait3A_83 = arith.constant 0 : i32
        %dma_wait3A_84 = arith.constant 0 : i32
        %dma_wait3A_85 = tpu.memref_slice %arg8[%rem3A_50, %dma_wait3A_83, %dma_wait3A_84] : memref<2x64x768xf32, #tpu.memory_space<vmem>> -> memref<1x64x768xf32, #tpu.memory_space<vmem>>
        %dma_wait3A_86 = tpu.memref_squeeze %dma_wait3A_85 : memref<1x64x768xf32, #tpu.memory_space<vmem>> -> memref<64x768xf32, #tpu.memory_space<vmem>>
        %dma_wait3A_87 = arith.constant 0 : i32
        %dma_wait3A_88 = tpu.memref_slice %arg6[%dma_wait3A_82, %dma_wait3A_87] : memref<16x64xi32, #tpu.memory_space<vmem>> -> memref<1x64xi32, #tpu.memory_space<vmem>>
        %dma_wait3A_89 = tpu.memref_squeeze %dma_wait3A_88 : memref<1x64xi32, #tpu.memory_space<vmem>> -> memref<64xi32, #tpu.memory_space<vmem>>
        %dma_wait3A_90 = arith.constant 0 : i32
        %dma_wait3A_91 = arith.constant 0 : i32
        %dma_wait3A_92 = tpu.memref_slice %arg2[%dma_wait3A_90, %dma_wait3A_91] : memref<49152x768xf32, #tpu.memory_space<hbm>> -> memref<49152x768xf32, #tpu.memory_space<hbm>>
        tpu.wait_indirect_dma semaphore(%arg10 : memref<!tpu.dma_semaphore, #tpu.memory_space<semaphore_mem>>) src(%dma_wait3A_92 : memref<49152x768xf32, #tpu.memory_space<hbm>>) dst(%dma_wait3A_86 : memref<64x768xf32, #tpu.memory_space<vmem>>)
      } else {
      }
    }
    %scan3A_44 = arith.constant 16 : i32
    return
  }
}

#map = affine_map<(d0, d1) -> (0, 0)>
module attributes {stable_mosaic.version = 14 : i64} {
  func.func @k(%arg0: i32, %arg1: i32, %arg2: memref<32768x768xf32, #tpu.memory_space<hbm>>, %arg3: memref<512x64xi32, #tpu.memory_space<hbm>>, %arg4: memref<512x64xi32, #tpu.memory_space<hbm>>, %arg5: memref<49152x768xf32, #tpu.memory_space<hbm>>, %arg6: memref<16x64xi32, #tpu.memory_space<vmem>>, %arg7: memref<16x64xi32, #tpu.memory_space<vmem>>, %arg8: memref<2x64x768xf32, #tpu.memory_space<vmem>>, %arg9: memref<!tpu.dma_semaphore, #tpu.memory_space<semaphore_mem>>, %arg10: memref<!tpu.dma_semaphore, #tpu.memory_space<semaphore_mem>>, %arg11: memref<!tpu.dma_semaphore, #tpu.memory_space<semaphore_mem>>) attributes {dimension_semantics = [#tpu.dimension_semantics<core_parallel>, #tpu.dimension_semantics<subcore_parallel>], iteration_bounds = array<i64: 2, 16>, scalar_prefetch = 0 : i64, scratch_operands = 6 : i64, tpu.core_type = #tpu.core_type<sc_vector_subcore>, window_params = [{transform_indices = #map}, {transform_indices = #map}, {transform_indices = #map}, {transform_indices = #map}]} {
    %mul3A = arith.constant 2 : i32
    %mul3A_0 = arith.muli %arg1, %mul3A : i32
    %add3A = arith.addi %mul3A_0, %arg0 : i32
    %mul3A_1 = arith.constant 16 : i32
    %mul3A_2 = arith.muli %add3A, %mul3A_1 : i32
    %dma_start3A = arith.constant 0 : i32
    %dma_start3A_3 = tpu.memref_slice %arg3[%mul3A_2, %dma_start3A] : memref<512x64xi32, #tpu.memory_space<hbm>> -> memref<16x64xi32, #tpu.memory_space<hbm>>
    %dma_start3A_4 = arith.constant 0 : i32
    %dma_start3A_5 = tpu.memref_slice %arg3[%mul3A_2, %dma_start3A_4] : memref<512x64xi32, #tpu.memory_space<hbm>> -> memref<16x64xi32, #tpu.memory_space<hbm>>
    tpu.enqueue_dma source(%dma_start3A_5 : memref<16x64xi32, #tpu.memory_space<hbm>>) target(%arg6 : memref<16x64xi32, #tpu.memory_space<vmem>>) target_semaphore(%arg9 : memref<!tpu.dma_semaphore, #tpu.memory_space<semaphore_mem>>)
    %dma_start3A_6 = arith.constant 0 : i32
    %dma_start3A_7 = tpu.memref_slice %arg4[%mul3A_2, %dma_start3A_6] : memref<512x64xi32, #tpu.memory_space<hbm>> -> memref<16x64xi32, #tpu.memory_space<hbm>>
    %dma_start3A_8 = arith.constant 0 : i32
    %dma_start3A_9 = tpu.memref_slice %arg4[%mul3A_2, %dma_start3A_8] : memref<512x64xi32, #tpu.memory_space<hbm>> -> memref<16x64xi32, #tpu.memory_space<hbm>>
    tpu.enqueue_dma source(%dma_start3A_9 : memref<16x64xi32, #tpu.memory_space<hbm>>) target(%arg7 : memref<16x64xi32, #tpu.memory_space<vmem>>) target_semaphore(%arg9 : memref<!tpu.dma_semaphore, #tpu.memory_space<semaphore_mem>>)
    %dma_wait3A = arith.constant 0 : i32
    %dma_wait3A_10 = tpu.memref_slice %arg4[%mul3A_2, %dma_wait3A] : memref<512x64xi32, #tpu.memory_space<hbm>> -> memref<16x64xi32, #tpu.memory_space<hbm>>
    %dma_wait3A_11 = arith.constant 0 : i32
    %dma_wait3A_12 = tpu.memref_slice %arg4[%mul3A_2, %dma_wait3A_11] : memref<512x64xi32, #tpu.memory_space<hbm>> -> memref<16x64xi32, #tpu.memory_space<hbm>>
    tpu.wait_dma2 semaphore(%arg9 : memref<!tpu.dma_semaphore, #tpu.memory_space<semaphore_mem>>) src(%dma_wait3A_12 : memref<16x64xi32, #tpu.memory_space<hbm>>) dst(%arg7 : memref<16x64xi32, #tpu.memory_space<vmem>>)
    %dma_wait3A_13 = arith.constant 0 : i32
    %dma_wait3A_14 = tpu.memref_slice %arg3[%mul3A_2, %dma_wait3A_13] : memref<512x64xi32, #tpu.memory_space<hbm>> -> memref<16x64xi32, #tpu.memory_space<hbm>>
    %dma_wait3A_15 = arith.constant 0 : i32
    %dma_wait3A_16 = tpu.memref_slice %arg3[%mul3A_2, %dma_wait3A_15] : memref<512x64xi32, #tpu.memory_space<hbm>> -> memref<16x64xi32, #tpu.memory_space<hbm>>
    tpu.wait_dma2 semaphore(%arg9 : memref<!tpu.dma_semaphore, #tpu.memory_space<semaphore_mem>>) src(%dma_wait3A_16 : memref<16x64xi32, #tpu.memory_space<hbm>>) dst(%arg6 : memref<16x64xi32, #tpu.memory_space<vmem>>)
    %dma_start3A_17 = arith.constant 0 : i32
    %dma_start3A_18 = arith.constant 0 : i32
    %dma_start3A_19 = arith.constant 0 : i32
    %dma_start3A_20 = arith.constant 0 : i32
    %dma_start3A_21 = tpu.memref_slice %arg8[%dma_start3A_18, %dma_start3A_19, %dma_start3A_20] : memref<2x64x768xf32, #tpu.memory_space<vmem>> -> memref<1x64x768xf32, #tpu.memory_space<vmem>>
    %dma_start3A_22 = tpu.memref_squeeze %dma_start3A_21 : memref<1x64x768xf32, #tpu.memory_space<vmem>> -> memref<64x768xf32, #tpu.memory_space<vmem>>
    %dma_start3A_23 = arith.constant 0 : i32
    %dma_start3A_24 = tpu.memref_slice %arg6[%dma_start3A_17, %dma_start3A_23] : memref<16x64xi32, #tpu.memory_space<vmem>> -> memref<1x64xi32, #tpu.memory_space<vmem>>
    %dma_start3A_25 = tpu.memref_squeeze %dma_start3A_24 : memref<1x64xi32, #tpu.memory_space<vmem>> -> memref<64xi32, #tpu.memory_space<vmem>>
    %dma_start3A_26 = arith.constant 0 : i32
    %dma_start3A_27 = arith.constant 0 : i32
    %dma_start3A_28 = tpu.memref_slice %arg2[%dma_start3A_26, %dma_start3A_27] : memref<32768x768xf32, #tpu.memory_space<hbm>> -> memref<32768x768xf32, #tpu.memory_space<hbm>>
    tpu.enqueue_indirect_dma source(%dma_start3A_28 : memref<32768x768xf32, #tpu.memory_space<hbm>>) target(%dma_start3A_22 : memref<64x768xf32, #tpu.memory_space<vmem>>) offsets(%dma_start3A_25 : memref<64xi32, #tpu.memory_space<vmem>>) semaphore(%arg10 : memref<!tpu.dma_semaphore, #tpu.memory_space<semaphore_mem>>)
    %dma_wait3A_29 = arith.constant 0 : i32
    %dma_wait3A_30 = arith.constant 0 : i32
    %dma_wait3A_31 = arith.constant 0 : i32
    %dma_wait3A_32 = arith.constant 0 : i32
    %dma_wait3A_33 = tpu.memref_slice %arg8[%dma_wait3A_30, %dma_wait3A_31, %dma_wait3A_32] : memref<2x64x768xf32, #tpu.memory_space<vmem>> -> memref<1x64x768xf32, #tpu.memory_space<vmem>>
    %dma_wait3A_34 = tpu.memref_squeeze %dma_wait3A_33 : memref<1x64x768xf32, #tpu.memory_space<vmem>> -> memref<64x768xf32, #tpu.memory_space<vmem>>
    %dma_wait3A_35 = arith.constant 0 : i32
    %dma_wait3A_36 = tpu.memref_slice %arg6[%dma_wait3A_29, %dma_wait3A_35] : memref<16x64xi32, #tpu.memory_space<vmem>> -> memref<1x64xi32, #tpu.memory_space<vmem>>
    %dma_wait3A_37 = tpu.memref_squeeze %dma_wait3A_36 : memref<1x64xi32, #tpu.memory_space<vmem>> -> memref<64xi32, #tpu.memory_space<vmem>>
    %dma_wait3A_38 = arith.constant 0 : i32
    %dma_wait3A_39 = arith.constant 0 : i32
    %dma_wait3A_40 = tpu.memref_slice %arg2[%dma_wait3A_38, %dma_wait3A_39] : memref<32768x768xf32, #tpu.memory_space<hbm>> -> memref<32768x768xf32, #tpu.memory_space<hbm>>
    tpu.wait_indirect_dma semaphore(%arg10 : memref<!tpu.dma_semaphore, #tpu.memory_space<semaphore_mem>>) src(%dma_wait3A_40 : memref<32768x768xf32, #tpu.memory_space<hbm>>) dst(%dma_wait3A_34 : memref<64x768xf32, #tpu.memory_space<vmem>>)
    %scan3A = arith.constant 0 : i32
    %scan3A_41 = arith.constant 16 : i32
    %scan3A_42 = arith.addi %scan3A, %scan3A_41 : i32
    %scan3A_43 = arith.constant 1 : i32
    scf.for %scan3A_45 = %scan3A to %scan3A_42 step %scan3A_43  : i32 {
      %rem3A = arith.constant 2 : i32
      %rem3A_46 = arith.remsi %scan3A_45, %rem3A : i32
      %add3A_47 = arith.constant 1 : i32
      %add3A_48 = arith.addi %scan3A_45, %add3A_47 : i32
      %rem3A_49 = arith.constant 2 : i32
      %rem3A_50 = arith.remsi %add3A_48, %rem3A_49 : i32
      %add3A_51 = arith.constant 1 : i32
      %add3A_52 = arith.addi %scan3A_45, %add3A_51 : i32
      %lt3A = arith.constant 16 : i32
      %lt3A_53 = arith.cmpi slt, %add3A_52, %lt3A : i32
      %convert_element_type3A = arith.extui %lt3A_53 : i1 to i32
      %cond3A = arith.constant 0 : i32
      %cond3A_54 = arith.cmpi ne, %convert_element_type3A, %cond3A : i32
      scf.if %cond3A_54 {
        %add3A_82 = arith.constant 1 : i32
        %add3A_83 = arith.addi %scan3A_45, %add3A_82 : i32
        %dma_start3A_84 = arith.constant 0 : i32
        %dma_start3A_85 = arith.constant 0 : i32
        %dma_start3A_86 = tpu.memref_slice %arg8[%rem3A_50, %dma_start3A_84, %dma_start3A_85] : memref<2x64x768xf32, #tpu.memory_space<vmem>> -> memref<1x64x768xf32, #tpu.memory_space<vmem>>
        %dma_start3A_87 = tpu.memref_squeeze %dma_start3A_86 : memref<1x64x768xf32, #tpu.memory_space<vmem>> -> memref<64x768xf32, #tpu.memory_space<vmem>>
        %dma_start3A_88 = arith.constant 0 : i32
        %dma_start3A_89 = tpu.memref_slice %arg6[%add3A_83, %dma_start3A_88] : memref<16x64xi32, #tpu.memory_space<vmem>> -> memref<1x64xi32, #tpu.memory_space<vmem>>
        %dma_start3A_90 = tpu.memref_squeeze %dma_start3A_89 : memref<1x64xi32, #tpu.memory_space<vmem>> -> memref<64xi32, #tpu.memory_space<vmem>>
        %dma_start3A_91 = arith.constant 0 : i32
        %dma_start3A_92 = arith.constant 0 : i32
        %dma_start3A_93 = tpu.memref_slice %arg2[%dma_start3A_91, %dma_start3A_92] : memref<32768x768xf32, #tpu.memory_space<hbm>> -> memref<32768x768xf32, #tpu.memory_space<hbm>>
        tpu.enqueue_indirect_dma source(%dma_start3A_93 : memref<32768x768xf32, #tpu.memory_space<hbm>>) target(%dma_start3A_87 : memref<64x768xf32, #tpu.memory_space<vmem>>) offsets(%dma_start3A_90 : memref<64xi32, #tpu.memory_space<vmem>>) semaphore(%arg10 : memref<!tpu.dma_semaphore, #tpu.memory_space<semaphore_mem>>)
      } else {
      }
      %dma_start3A_55 = arith.constant 0 : i32
      %dma_start3A_56 = arith.constant 0 : i32
      %dma_start3A_57 = tpu.memref_slice %arg8[%rem3A_46, %dma_start3A_55, %dma_start3A_56] : memref<2x64x768xf32, #tpu.memory_space<vmem>> -> memref<1x64x768xf32, #tpu.memory_space<vmem>>
      %dma_start3A_58 = tpu.memref_squeeze %dma_start3A_57 : memref<1x64x768xf32, #tpu.memory_space<vmem>> -> memref<64x768xf32, #tpu.memory_space<vmem>>
      %dma_start3A_59 = arith.constant 0 : i32
      %dma_start3A_60 = tpu.memref_slice %arg7[%scan3A_45, %dma_start3A_59] : memref<16x64xi32, #tpu.memory_space<vmem>> -> memref<1x64xi32, #tpu.memory_space<vmem>>
      %dma_start3A_61 = tpu.memref_squeeze %dma_start3A_60 : memref<1x64xi32, #tpu.memory_space<vmem>> -> memref<64xi32, #tpu.memory_space<vmem>>
      %dma_start3A_62 = arith.constant 0 : i32
      %dma_start3A_63 = arith.constant 0 : i32
      %dma_start3A_64 = tpu.memref_slice %arg5[%dma_start3A_62, %dma_start3A_63] : memref<49152x768xf32, #tpu.memory_space<hbm>> -> memref<49152x768xf32, #tpu.memory_space<hbm>>
      tpu.enqueue_indirect_dma source(%dma_start3A_58 : memref<64x768xf32, #tpu.memory_space<vmem>>) target(%dma_start3A_64 : memref<49152x768xf32, #tpu.memory_space<hbm>>) offsets(%dma_start3A_61 : memref<64xi32, #tpu.memory_space<vmem>>) semaphore(%arg11 : memref<!tpu.dma_semaphore, #tpu.memory_space<semaphore_mem>>)
      %dma_wait3A_65 = arith.constant 0 : i32
      %dma_wait3A_66 = arith.constant 0 : i32
      %dma_wait3A_67 = tpu.memref_slice %arg8[%rem3A_46, %dma_wait3A_65, %dma_wait3A_66] : memref<2x64x768xf32, #tpu.memory_space<vmem>> -> memref<1x64x768xf32, #tpu.memory_space<vmem>>
      %dma_wait3A_68 = tpu.memref_squeeze %dma_wait3A_67 : memref<1x64x768xf32, #tpu.memory_space<vmem>> -> memref<64x768xf32, #tpu.memory_space<vmem>>
      %dma_wait3A_69 = arith.constant 0 : i32
      %dma_wait3A_70 = tpu.memref_slice %arg7[%scan3A_45, %dma_wait3A_69] : memref<16x64xi32, #tpu.memory_space<vmem>> -> memref<1x64xi32, #tpu.memory_space<vmem>>
      %dma_wait3A_71 = tpu.memref_squeeze %dma_wait3A_70 : memref<1x64xi32, #tpu.memory_space<vmem>> -> memref<64xi32, #tpu.memory_space<vmem>>
      %dma_wait3A_72 = arith.constant 0 : i32
      %dma_wait3A_73 = arith.constant 0 : i32
      %dma_wait3A_74 = tpu.memref_slice %arg5[%dma_wait3A_72, %dma_wait3A_73] : memref<49152x768xf32, #tpu.memory_space<hbm>> -> memref<49152x768xf32, #tpu.memory_space<hbm>>
      tpu.wait_indirect_dma semaphore(%arg11 : memref<!tpu.dma_semaphore, #tpu.memory_space<semaphore_mem>>) src(%dma_wait3A_68 : memref<64x768xf32, #tpu.memory_space<vmem>>) dst(%dma_wait3A_74 : memref<49152x768xf32, #tpu.memory_space<hbm>>)
      %add3A_75 = arith.constant 1 : i32
      %add3A_76 = arith.addi %scan3A_45, %add3A_75 : i32
      %lt3A_77 = arith.constant 16 : i32
      %lt3A_78 = arith.cmpi slt, %add3A_76, %lt3A_77 : i32
      %convert_element_type3A_79 = arith.extui %lt3A_78 : i1 to i32
      %cond3A_80 = arith.constant 0 : i32
      %cond3A_81 = arith.cmpi ne, %convert_element_type3A_79, %cond3A_80 : i32
      scf.if %cond3A_81 {
        %dma_wait3A_82 = arith.constant 0 : i32
        %dma_wait3A_83 = arith.constant 0 : i32
        %dma_wait3A_84 = arith.constant 0 : i32
        %dma_wait3A_85 = tpu.memref_slice %arg8[%rem3A_50, %dma_wait3A_83, %dma_wait3A_84] : memref<2x64x768xf32, #tpu.memory_space<vmem>> -> memref<1x64x768xf32, #tpu.memory_space<vmem>>
        %dma_wait3A_86 = tpu.memref_squeeze %dma_wait3A_85 : memref<1x64x768xf32, #tpu.memory_space<vmem>> -> memref<64x768xf32, #tpu.memory_space<vmem>>
        %dma_wait3A_87 = arith.constant 0 : i32
        %dma_wait3A_88 = tpu.memref_slice %arg6[%dma_wait3A_82, %dma_wait3A_87] : memref<16x64xi32, #tpu.memory_space<vmem>> -> memref<1x64xi32, #tpu.memory_space<vmem>>
        %dma_wait3A_89 = tpu.memref_squeeze %dma_wait3A_88 : memref<1x64xi32, #tpu.memory_space<vmem>> -> memref<64xi32, #tpu.memory_space<vmem>>
        %dma_wait3A_90 = arith.constant 0 : i32
        %dma_wait3A_91 = arith.constant 0 : i32
        %dma_wait3A_92 = tpu.memref_slice %arg2[%dma_wait3A_90, %dma_wait3A_91] : memref<32768x768xf32, #tpu.memory_space<hbm>> -> memref<32768x768xf32, #tpu.memory_space<hbm>>
        tpu.wait_indirect_dma semaphore(%arg10 : memref<!tpu.dma_semaphore, #tpu.memory_space<semaphore_mem>>) src(%dma_wait3A_92 : memref<32768x768xf32, #tpu.memory_space<hbm>>) dst(%dma_wait3A_86 : memref<64x768xf32, #tpu.memory_space<vmem>>)
      } else {
      }
    }
    %scan3A_44 = arith.constant 16 : i32
    return
  }
}

module attributes {stable_mosaic.version = 14 : i64} {
  func.func @_mm_body(%arg0: i32, %arg1: memref<192xi32, #tpu.memory_space<smem>>, %arg2: memref<192xi32, #tpu.memory_space<smem>>, %arg3: memref<256x768xf32, #tpu.memory_space<vmem>>, %arg4: memref<1x768x768xf32, #tpu.memory_space<vmem>>, %arg5: memref<256x768xf32, #tpu.memory_space<vmem>>) attributes {dimension_semantics = [#tpu.dimension_semantics<arbitrary>], iteration_bounds = array<i64: 192>, scalar_prefetch = 2 : i64, scratch_operands = 0 : i64, tpu.core_type = #tpu.core_type<tc>, window_params = [{transform_indices = @transform_0, window_bounds = array<i64: 256, 768>}, {transform_indices = @transform_1, window_bounds = array<i64: 1, 768, 768>}, {transform_indices = @transform_2, window_bounds = array<i64: 256, 768>}]} {
    %get3A = arith.constant 0 : index
    %get3A_0 = arith.constant 0 : index
    %get3A_1 = vector.load %arg3[%get3A, %get3A_0] : memref<256x768xf32, #tpu.memory_space<vmem>>, vector<256x768xf32>
    %get3A_2 = arith.constant 0 : index
    %get3A_3 = arith.constant 0 : index
    %get3A_4 = arith.constant 0 : index
    %get3A_5 = vector.load %arg4[%get3A_2, %get3A_3, %get3A_4] : memref<1x768x768xf32, #tpu.memory_space<vmem>>, vector<1x768x768xf32>
    %get3A_6 = vector.shape_cast %get3A_5 : vector<1x768x768xf32> to vector<768x768xf32>
    %dot_general3A = arith.constant dense<0.000000e+00> : vector<256x768xf32>
    %dot_general3A_7 = tpu.matmul %get3A_1, %get3A_6, %dot_general3A {dimension_numbers = #tpu.dot_dimension_numbers<[1], [1], [0], [0], [0, 0, 1, 0], [], []>, transpose_lhs_hint = false} : vector<256x768xf32>, vector<768x768xf32>, vector<256x768xf32> -> vector<256x768xf32>
    %swap3A = arith.constant 0 : index
    %swap3A_8 = arith.constant 0 : index
    %swap3A_9 = vector.load %arg5[%swap3A, %swap3A_8] : memref<256x768xf32, #tpu.memory_space<vmem>>, vector<256x768xf32>
    tpu.vector_store %arg5[%swap3A, %swap3A_8], %dot_general3A_7 {strides = array<i32>} : memref<256x768xf32, #tpu.memory_space<vmem>>, vector<256x768xf32>,
    return
  }
  func.func @transform_0(%arg0: i32, %arg1: memref<192xi32, #tpu.memory_space<smem>>, %arg2: memref<192xi32, #tpu.memory_space<smem>>) -> (i32, i32) {
    %get3A = arith.index_cast %arg0 : i32 to index
    %get3A_0 = memref.load %arg1[%get3A] : memref<192xi32, #tpu.memory_space<smem>>
    %c0_i32 = arith.constant 0 : i32
    %c0_i32_1 = arith.constant 0 : i32
    return %get3A_0, %c0_i32 : i32, i32
  }
  func.func @transform_1(%arg0: i32, %arg1: memref<192xi32, #tpu.memory_space<smem>>, %arg2: memref<192xi32, #tpu.memory_space<smem>>) -> (i32, i32, i32) {
    %get3A = arith.index_cast %arg0 : i32 to index
    %get3A_0 = memref.load %arg2[%get3A] : memref<192xi32, #tpu.memory_space<smem>>
    %c0_i32 = arith.constant 0 : i32
    %c0_i32_1 = arith.constant 0 : i32
    %c0_i32_2 = arith.constant 0 : i32
    return %get3A_0, %c0_i32, %c0_i32_1 : i32, i32, i32
  }
  func.func @transform_2(%arg0: i32, %arg1: memref<192xi32, #tpu.memory_space<smem>>, %arg2: memref<192xi32, #tpu.memory_space<smem>>) -> (i32, i32) {
    %get3A = arith.index_cast %arg0 : i32 to index
    %get3A_0 = memref.load %arg1[%get3A] : memref<192xi32, #tpu.memory_space<smem>>
    %c0_i32 = arith.constant 0 : i32
    %c0_i32_1 = arith.constant 0 : i32
    return %get3A_0, %c0_i32 : i32, i32
  }
}

</mosaic_0001>

<sc_bundles>
// kernel: kernel.5.cloned.1.call-start
scs
__scs_entry_jumppad:
0x0: {  	(pc) =	sbr.rel $0x88, $3  }
0x1: {  	(tag) =	ssettag $0x0;
	lr =	simm.s32 $0x1  }
0x2: {  	[smem:$0x3F9E] =	sst lr;
	_ =	strace $0xD0000000  }
0x3: {  	_ = 	snop  }
0x4: {  	_ = 	snop  }
0x5: {  	_ = 	snop  }
0x6: {  	_ = 	snop  }
0x7: {  	_ = 	snop  }
__scs_overlays_trampoline_lowered:
0x8: {  	[smem:$0x3FAD] =	sst s0  }
0x9: {  	[smem:$0x3FAE] =	sst s1  }
0xa: {  	[smem:$0x3FAF] =	sst s2  }
0xb: {  	[smem:$0x3FB0] =	sst s3  }
0xc: {  	[smem:$0x3FB1] =	sst s4  }
0xd: {  	[smem:$0x3FB2] =	sst s5  }
0xe: {  	[smem:$0x3FB3] =	sst s6  }
0xf: {  	[smem:$0x3FB4] =	sst s7  }
0x10: {  	[smem:$0x3FB5] =	sst s8  }
0x11: {  	[smem:$0x3FB6] =	sst s9;
	s0 =	simm.s32 @!p0 $0x0  }
0x12: {  	s1 =	sld [smem:$0x3F9C];
	s0 =	simm.s32 @p0 $0x1  }
0x13: {  	[smem:$0x3FB7] =	sst s0;
	s0 =	simm.s32 @!p1 $0x0  }
0x14: {  	s2 =	sld [smem:$0x3F9B];
	s0 =	simm.s32 @p1 $0x1  }
0x15: {  	[smem:$0x3FB8] =	sst s0;
	s0 =	simm.s32 @!p2 $0x0  }
0x16: {  	s3 =	sld [smem:$0x3FDB];
	s0 =	simm.s32 @p2 $0x1  }
0x17: {  	s4 =	simm.s32 $0x1BF5;
	[smem:$0x3FBA] =	sst s0  }
0x18: {  	s0 =	sld [smem:$0x3F9D];
	_ =	swait.ge [sflag:s4], $0x0  }
0x19: {  	s7 =	sld [smem:$0x3F9E]  }
0x1a: {  	s8 =	sadd.s32 $0xFFFFE003, lr  }
0x1b: {  	s9 =	sadd.s32 $0xFFFFFEF7, lr;
	s5 =	simm.s32 $0xFFFFFFFF;
	p2 =	slt.u32 s8, $0xFFFFF086  }
0x1c: {  	p1 =	slt.u32 s9, $0xF7A;
	s5 =	simm.s32 @!p2 $0x0  }
0x1d: {  	s5 =	simm.s32 @p1 $0x1;
	p0 =	seq.s32 s7, s2  }
0x1e: {  	s7 =	smul.u32 @!p0 $0xF7A, s2;
	p2 =	seq.s32 @!p0 s5, $0x0  }
0x1f: {  	s9 =	smul.u32 $0xF7A, s1;
	s8 =	simm.s32 @!p0 $0x1BF5;
	p2 =	por !p2, p0  }
0x20: {  	[sflag:s8] =	ssyncset.s32 @!p0 $0xFFFFF086;
	s6 =	sadd.s32 @!p0 s3, s7;
	s7 =	simm.s32 @!p0 $0x108  }
0x21: {  	s3 =	sadd.s32 s3, s9;
	s6 =	sadd.s32 @!p0 $0x88, s6;
	s7 =	simm.s32 @p2 $0x1082  }
0x22: {  	[simem:s7], [sflag:s8] =	dma.local @!p0 [hbm:s6], $0xF7A  }
0x23: {  	s9 =	sor.u32 $0xD0000000, s2;
	s6 =	simm.s32 $0x108;
	_ =	swait.ge @!p0 [sflag:s8], $0x0  }
0x24: {  	s3 =	sadd.s32 $0x88, s3;
	s6 =	simm.s32 @!p1 $0x1082;
	[sflag:s4] =	ssyncset.s32 $0xFFFFF086  }
0x25: {  	[simem:s6], [sflag:s4] =	dma.local [hbm:s3], $0xF7A  }
0x26: {  	[smem:$0x3F9E] =	sst s1;
	(tag) =	ssettag s2;
	_ =	strace s9  }
0x27: {  	s1 =	sld [smem:$0x3FAE]  }
0x28: {  	s2 =	sld [smem:$0x3FAF]  }
0x29: {  	s4 =	sld [smem:$0x3FB1]  }
0x2a: {  	p0 =	seq.s32 s5, $0x0;
	s5 =	sld [smem:$0x3FB2]  }
0x2b: {  	s6 =	sld [smem:$0x3FB3]  }
0x2c: {  	s7 =	sld [smem:$0x3FB4]  }
0x2d: {  	s3 =	simm.s32 $0x108;
	s8 =	sld [smem:$0x3FB5]  }
0x2e: {  	s3 =	simm.s32 @!p0 $0x1082;
	s9 =	sld [smem:$0x3FB6]  }
0x2f: {  	lr =	sadd.s32 s0, s3;
	s0 =	sld [smem:$0x3FAD]  }
0x30: {  	s3 =	sld [smem:$0x3FB0]  }
0x31: {  	[smem:$0x3FB9] =	sst s10  }
0x32: {  	s10 =	sld [smem:$0x3FB7];
	_ =	sdelay $0x3  }
0x33: {  	p0 =	seq.s32 s10, $0x1;
	s10 =	sld [smem:$0x3FB9];
	_ =	sdelay $0x3  }
0x34: {  	[smem:$0x3FB9] =	sst s10  }
0x35: {  	s10 =	sld [smem:$0x3FB8];
	_ =	sdelay $0x3  }
0x36: {  	p1 =	seq.s32 s10, $0x1;
	s10 =	sld [smem:$0x3FB9];
	_ =	sdelay $0x3  }
0x37: {  	[smem:$0x3FB9] =	sst s10  }
0x38: {  	s10 =	sld [smem:$0x3FBA]  }
0x39: {  	_ = 	snop;
	(pc) =	sbr.ind lr, $3  }
0x3a: {  	_ = 	snop  }
0x3b: {  	_ = 	snop  }
0x3c: {  	p2 =	seq.s32 s10, $0x1;
	s10 =	sld [smem:$0x3FB9]  }
0x3d: {  	_ =	shalt  }
0x3e: {  	_ =	shalt  }
0x3f: {  	_ =	shalt  }
0x40: {  	_ =	shalt  }
0x41: {  	_ =	shalt  }
0x42: {  	_ =	shalt  }
0x43: {  	_ =	shalt  }
0x44: {  	_ =	shalt  }
0x45: {  	_ =	shalt  }
0x46: {  	_ =	shalt  }
0x47: {  	_ =	shalt  }
0x48: {  	_ =	shalt  }
0x49: {  	_ =	shalt  }
0x4a: {  	_ =	shalt  }
0x4b: {  	_ =	shalt  }
0x4c: {  	_ =	shalt  }
0x4d: {  	_ =	shalt  }
0x4e: {  	_ =	shalt  }
0x4f: {  	_ =	shalt  }
0x50: {  	_ =	shalt  }
0x51: {  	_ =	shalt  }
0x52: {  	_ =	shalt  }
0x53: {  	_ =	shalt  }
0x54: {  	_ =	shalt  }
0x55: {  	_ =	shalt  }
0x56: {  	_ =	shalt  }
0x57: {  	_ =	shalt  }
0x58: {  	_ =	shalt  }
0x59: {  	_ =	shalt  }
0x5a: {  	_ =	shalt  }
0x5b: {  	_ =	shalt  }
0x5c: {  	_ =	shalt  }
0x5d: {  	_ =	shalt  }
0x5e: {  	_ =	shalt  }
0x5f: {  	_ =	shalt  }
0x60: {  	_ =	shalt  }
0x61: {  	_ =	shalt  }
0x62: {  	_ =	shalt  }
0x63: {  	_ =	shalt  }
0x64: {  	_ =	shalt  }
0x65: {  	_ =	shalt  }
0x66: {  	_ =	shalt  }
0x67: {  	_ =	shalt  }
0x68: {  	_ =	shalt  }
0x69: {  	_ =	shalt  }
0x6a: {  	_ =	shalt  }
0x6b: {  	_ =	shalt  }
0x6c: {  	_ =	shalt  }
0x6d: {  	_ =	shalt  }
0x6e: {  	_ =	shalt  }
0x6f: {  	_ =	shalt  }
0x70: {  	_ =	shalt  }
0x71: {  	_ =	shalt  }
0x72: {  	_ =	shalt  }
0x73: {  	_ =	shalt  }
0x74: {  	_ =	shalt  }
0x75: {  	_ =	shalt  }
0x76: {  	_ =	shalt  }
0x77: {  	_ =	shalt  }
0x78: {  	_ =	shalt  }
0x79: {  	_ =	shalt  }
0x7a: {  	_ =	shalt  }
0x7b: {  	_ =	shalt  }
0x7c: {  	_ =	shalt  }
0x7d: {  	_ =	shalt  }
0x7e: {  	_ =	shalt  }
0x7f: {  	_ =	shalt  }
0x80: {  	_ =	shalt  }
0x81: {  	_ =	shalt  }
0x82: {  	_ =	shalt  }
0x83: {  	_ =	shalt  }
0x84: {  	_ =	shalt  }
0x85: {  	_ =	shalt  }
0x86: {  	_ =	shalt  }
0x87: {  	_ =	shalt  }
.Lfunc_end0:
.L_simem_size_0:
called_computation.1_lowered:
.L_overlay_start_0:
0x88: {  	s2 =	sld [smem:$0x3FD9]  }
0x89: {  	s3 =	sld [smem:$0x3FFE];
	_ =	sdelay $0x1  }
0x8a: {  	s1 =	srdreg.scid  }
0x8b: {  	s0 =	sand.u32 $0x1, s1  }
0x8c: {  	s17 =	sshll.u32 s0, $0xA;
	s2 =	sadd.s32 s3, s2  }
0x8d: {  	s2 =	sadd.s32 s2, s17  }
0x8e: {  	[smem:$0x3FC5] =	sst s2  }
0x8f: {  	_ = 	snop  }
0x90: {  	s2 =	sld [smem:$0x3FC9];
	(tm) =	ssettm $0x1  }
0x91: {  	s18 =	sld [smem:$0x3FFB];
	_ =	sdelay $0x3  }
0x92: {  	_ =	strace s18  }
0x93: {  	s3 =	sld [smem:$0x3FFC];
	_ =	sdelay $0x3  }
0x94: {  	_ =	strace s3  }
0x95: {  	s3 =	sld [smem:$0x3FFD];
	_ =	sdelay $0x3  }
0x96: {  	_ =	strace s3  }
0x97: {  	_ =	strace $0x8FFFFFFF  }
0x98: {  	s19 =	sld [smem:$0x3FDB];
	_ =	sdelay $0x1  }
0x99: {  	s4 =	simm.s32 $_scs_section_size  }
0x9a: {  	s5 =	simm.s32 $_size__tile_overlayer_lowered;
	s6 =	simm.s32 $_tile_overlayer_lowered  }
0x9b: {  	s22 =	simm.s32 $0x1BFF;
	s21 =	sshll.u32 s6, $0x1;
	s3 =	sadd.s32 s4, s19  }
0x9c: {  	s7 =	simm.s32 $0x0;
	s20 =	sshll.u32 s5, $0x1;
	s5 =	sadd.s32 s21, s3  }
0x9d: {  	[timem:s7], [sflag:s22] =	dma.local [hbm:s5], s20  }
0x9e: {  	_ =	swait.ge [sflag:s22], s20  }
0x9f: {  	s4 =	ssub.s32 $0x0, s20;
	[sflag:s22] =	ssyncset.done $0x0  }
0xa0: {  	[sflag:s22] =	ssyncadd.s32 s4;
	_ =	sdelay $0x1  }
0xa1: {  	s23 =	simm.s32 $0x1B8B  }
0xa2: {  	_ =	swait.ge [sflag:s23], $0x1  }
0xa3: {  	[sflag:s23] =	ssyncset.done $0x0  }
0xa4: {  	s25 =	simm.s32 $0x1B8E;
	s24 =	sld [smem:$0x3FFE];
	[sflag:s23] =	ssyncadd.s32 $0xFFFFFFFF  }
0xa5: {  	s26 =	simm.s32 $execute0_lowered;
	[smem:$0x3FD2] =	sst s25  }
0xa6: {  	s5 =	sshll.u32 s26, $0x1;
	_ =	strace $0x80000049;
	[dreg:$0x1] =	wrdreg $0xFFFFFFFF  }
0xa7: {  	s28 =	simm.s32 $_size_execute0_lowered;
	s3 =	sadd.s32 s3, s5;
	[dreg:$0x0] =	wrdreg $0x0  }
0xa8: {  	s5 =	sshll.u32 s28, $0x1;
	[dreg:$0x2] =	wrdreg s3  }
0xa9: {  	[dreg:$0x3] =	wrdreg s5  }
0xaa: {  	[dreg:$0x4] =	wrdreg $0xC0  }
0xab: {  	_ =	task [dreg:s7], $0x5FFFF  }
0xac: {  	[dreg:$0x1] =	wrdreg $0xFFFFFFFF  }
0xad: {  	[dreg:$0x0] =	wrdreg $0x60  }
0xae: {  	[dreg:$0x2] =	wrdreg s2  }
0xaf: {  	[dreg:$0x3] =	wrdreg s24  }
0xb0: {  	[dreg:$0x4] =	wrdreg $0x9  }
0xb1: {  	_ =	task.clear_ibuf [dreg:s7], $0x5FFFF;
	_ =	strace $0x90000049  }
0xb2: {  	s29 =	simm.s32 $0x9;
	_ =	strace $0x8000004B  }
0xb3: {  	_ =	swait.ge [sflag:s29], $0x1  }
0xb4: {  	[sflag:s29] =	ssyncadd.s32 $0xFFFFFFFF  }
0xb5: {  	_ =	strace $0x9000004B  }
0xb6: {  	_ =	sfence  }
0xb7: {  	s30 =	sld [smem:$0x0];
	_ =	sdelay $0x2  }
0xb8: {  	s31 =	sshll.u32 s1, $0xD;
	s1 =	sshrl.u32 s1, $0x2  }
0xb9: {  	s3 =	sand.u32 $0x4000, s31;
	s1 =	sadd.s32 s1, s30  }
0xba: {  	s0 =	sor.u32 s3, s0;
	s1 =	sshll.u32 s1, $0x11  }
0xbb: {  	s0 =	sor.u32 s1, s0  }
0xbc: {  	s0 =	sadd.s32 $0x8F2B, s0  }
0xbd: {  	[sflag:s0] =	ssyncadd.remote.s32 $0x1  }
0xbe: {  	_ =	sfence.sel $0xFFFF  }
0xbf: {  	[dreg:$0x0] =	wrdreg $0xFFFFFFFF;
	(pc) =	sbr.abs _section_cstart, $3  }
0xc0: {  	[dreg:$0x1] =	wrdreg $0xFFFFFFFF  }
0xc1: {  	_ =	task.clear_ibuf [dreg:s7], $0x2FFFF;
	_ =	strace $0x9FFFFFFF  }
0xc2: {  	(tm) =	ssettm $0x7FFFFFFF  }
0xc3: {  	_ =	shalt  }
tec
execute0_lowered:
.L_overlay_start_1:
0x0: {  	(tag) =	ssettag $0x1  }
0x1: {  	s1 =	rddreg [dreg:$0x0]  }
0x2: {  	s0 =	rddreg [dreg:$0x1]  }
0x3: {  	s2 =	srdreg.scid;
	s3 =	simm.s32 $0x0;
	s4 =	stileid.u32  }
0x4: {  	s13 =	simm.s32 $0x1;
	s28 =	simm.s32 $0x7800;
	s29 =	simm.s32 $0x8000  }
0x5: {  	s30 =	simm.s32 $0x8800;
	s31 =	simm.s32 $0x9000;
	s12 =	simm.s32 $0xA800  }
0x6: {  	s14 =	simm.s32 $0xB000;
	s15 =	simm.s32 $0xB800;
	s16 =	simm.s32 $0xC000  }
0x7: {  	s17 =	simm.s32 $0xC800;
	s18 =	simm.s32 $0x2;
	s19 =	simm.s32 $0x3  }
0x8: {  	s20 =	simm.s32 $0x0;
	s2 =	sand.u32 $0x1, s2;
	[smem:$0x7FF] =	sst s3  }
0x9: {  	s4 =	sshll.u32 s4, $0x9;
	s7 =	sadd.s32 $0x100, s1;
	s8 =	sadd.s32 $0x200, s1  }
.Ltmp0:
0xa: {  	s9 =	sadd.s32 $0x4300, s0;
	s10 =	sadd.s32 $0x4400, s0;
	(pc) =	sbr.rel .LBB2_1-.Ltmp0, $4  }
0xb: {  	s5 =	sshll.u32 s2, $0x8;
	_ =	strace $0x8000004A;
	s2 =	ssub.s32 $0x2, s2  }
0xc: {  	v2 =	vlaneseq.u32;
	s5 =	sor.u32 s5, s4;
	s4 =	sadd.s32 $0x4200, s0;
	s6 =	sshrl.u32 s2, $0x1  }
0xd: {  	vm0 =	vmmov $0xffff;
	v1 =	vshrl.u32 v2, $0x3;
	s5 =	sadd.s32 s0, s5;
	s2 =	ssub.s32 s2, s6;
	s0 =	simm.s32 $0x9800  }
0xe: {  	v0 =	vand.u32 $0x7, v2;
	v2 =	vor.u32 $0x8, v2;
	v1 =	vmul.u32 $0x8, v1;
	s6 =	sadd.s32 $0x2200, s5;
	s11 =	smax.u32 s2, $0x1;
	s2 =	simm.s32 $0xA000  }
.LBB2_5:
0xf: {  	s20 =	sadd.s32 $0x1, s20  }
0x10: {  	p0 =	sne.s32 s20, s11  }
.Ltmp1:
0x11: {  	_ = 	snop;
	(pc) =	sbr.rel @!p0 .LBB2_6-.Ltmp1, $1  }
0x12: {  	_ =	sdelay $0x3  }
.LBB2_1:
0x13: {  	[tilespmem:s3], [sflag:$0x1] =	stream.linear.gather [hbm4b:s6+s3], $0x800, $0x38;
	[tilespmem:$0x19000] =	vst v63  }
0x14: {  	s21 =	simm.s32 $0x800  }
0x15: {  	[tilespmem:s21], [sflag:$0x1] =	stream.linear.gather [hbm4b:s5+s3], $0x800, $0x38;
	[tilespmem:$0x19000] =	vst v63  }
0x16: {  	_ =	swait.ge [sflag:s13], $0x800  }
0x17: {  	[sflag:s13] =	ssyncset.done $0x0  }
0x18: {  	[sflag:s13] =	ssyncadd.s32 $0xFFFFF800  }
0x19: {  	_ =	swait.ge [sflag:s13], $0x800  }
0x1a: {  	[sflag:s13] =	ssyncset.done $0x0  }
0x1b: {  	[sflag:s13] =	ssyncadd.s32 $0xFFFFF800  }
0x1c: {  	v3 =	vld [tilespmem:$0x0];
	_ =	sdelay $0x4  }
0x1d: {  	v4 =	vshrl.u32 v3, $0x3  }
0x1e: {  	v4 =	vmul.u32 $0x30, v4  }
0x1f: {  	v3 =	vand.u32 $0x7, v3  }
0x20: {  	v3 =	vor.u32 v3, v4  }
0x21: {  	v4 =	vperm.xlane v3, v0;
	_ =	sdelay $0x1  }
0x22: {  	v4 =	vadd.s32 v1, v4;
	_ =	sdelay $0x3  }
0x23: {  	s24 =	simm.s32 $0x1000;
	v3 =	vperm.xlane v3, v2  }
0x24: {  	[tilespmem:s24], [sflag:$0x2] =	stream.indirect_vreg.gather [hbm4b:s1+s3], $0x80, v4, vm0, $0xb8;
	[tilespmem:$0x19000] =	vst v63  }
0x25: {  	s25 =	simm.s32 $0x1800;
	v3 =	vadd.s32 v1, v3  }
0x26: {  	[tilespmem:s25], [sflag:$0x2] =	stream.indirect_vreg.gather [hbm4b:s7+s3], $0x80, v4, vm0, $0xb8;
	[tilespmem:$0x19000] =	vst v63  }
0x27: {  	s26 =	simm.s32 $0x2000  }
0x28: {  	[tilespmem:s26], [sflag:$0x2] =	stream.indirect_vreg.gather [hbm4b:s8+s3], $0x80, v4, vm0, $0xb8;
	[tilespmem:$0x19000] =	vst v63  }
0x29: {  	s22 =	simm.s32 $0x2800  }
0x2a: {  	[tilespmem:s22], [sflag:$0x2] =	stream.indirect_vreg.gather [hbm4b:s1+s3], $0x80, v3, vm0, $0xb8;
	[tilespmem:$0x19000] =	vst v63  }
0x2b: {  	s23 =	simm.s32 $0x3000  }
0x2c: {  	[tilespmem:s23], [sflag:$0x2] =	stream.indirect_vreg.gather [hbm4b:s7+s3], $0x80, v3, vm0, $0xb8;
	[tilespmem:$0x19000] =	vst v63  }
0x2d: {  	s24 =	simm.s32 $0x3800  }
0x2e: {  	[tilespmem:s24], [sflag:$0x2] =	stream.indirect_vreg.gather [hbm4b:s8+s3], $0x80, v3, vm0, $0xb8;
	[tilespmem:$0x19000] =	vst v63  }
0x2f: {  	v3 =	vld [tilespmem:$0x10];
	_ =	sdelay $0x4  }
0x30: {  	v61 =	vshrl.u32 v3, $0x3  }
0x31: {  	v4 =	vmul.u32 $0x30, v61  }
0x32: {  	v3 =	vand.u32 $0x7, v3  }
0x33: {  	v3 =	vor.u32 v3, v4  }
0x34: {  	v4 =	vperm.xlane v3, v0;
	_ =	sdelay $0x1  }
0x35: {  	v4 =	vadd.s32 v1, v4;
	_ =	sdelay $0x3  }
0x36: {  	s25 =	simm.s32 $0x4000;
	v3 =	vperm.xlane v3, v2  }
0x37: {  	[tilespmem:s25], [sflag:$0x2] =	stream.indirect_vreg.gather [hbm4b:s1+s3], $0x80, v4, vm0, $0xb8;
	[tilespmem:$0x19000] =	vst v63  }
0x38: {  	s26 =	simm.s32 $0x4800;
	v3 =	vadd.s32 v1, v3  }
0x39: {  	[tilespmem:s26], [sflag:$0x2] =	stream.indirect_vreg.gather [hbm4b:s7+s3], $0x80, v4, vm0, $0xb8;
	[tilespmem:$0x19000] =	vst v63  }
0x3a: {  	s22 =	simm.s32 $0x5000  }
0x3b: {  	[tilespmem:s22], [sflag:$0x2] =	stream.indirect_vreg.gather [hbm4b:s8+s3], $0x80, v4, vm0, $0xb8;
	[tilespmem:$0x19000] =	vst v63  }
0x3c: {  	s23 =	simm.s32 $0x5800  }
0x3d: {  	[tilespmem:s23], [sflag:$0x2] =	stream.indirect_vreg.gather [hbm4b:s1+s3], $0x80, v3, vm0, $0xb8;
	[tilespmem:$0x19000] =	vst v63  }
0x3e: {  	s24 =	simm.s32 $0x6000  }
0x3f: {  	[tilespmem:s24], [sflag:$0x2] =	stream.indirect_vreg.gather [hbm4b:s7+s3], $0x80, v3, vm0, $0xb8;
	[tilespmem:$0x19000] =	vst v63  }
0x40: {  	s25 =	simm.s32 $0x6800  }
0x41: {  	[tilespmem:s25], [sflag:$0x2] =	stream.indirect_vreg.gather [hbm4b:s8+s3], $0x80, v3, vm0, $0xb8;
	[tilespmem:$0x19000] =	vst v63  }
0x42: {  	v3 =	vld [tilespmem:$0x20];
	_ =	sdelay $0x4  }
0x43: {  	v62 =	vshrl.u32 v3, $0x3  }
0x44: {  	v4 =	vmul.u32 $0x30, v62  }
0x45: {  	v3 =	vand.u32 $0x7, v3  }
0x46: {  	v3 =	vor.u32 v3, v4  }
0x47: {  	v4 =	vperm.xlane v3, v0;
	_ =	sdelay $0x1  }
0x48: {  	v4 =	vadd.s32 v1, v4;
	_ =	sdelay $0x3  }
0x49: {  	s26 =	simm.s32 $0x7000;
	v3 =	vperm.xlane v3, v2  }
0x4a: {  	[tilespmem:s26], [sflag:$0x2] =	stream.indirect_vreg.gather [hbm4b:s1+s3], $0x80, v4, vm0, $0xb8;
	[tilespmem:$0x19000] =	vst v63  }
0x4b: {  	v3 =	vadd.s32 v1, v3  }
0x4c: {  	[tilespmem:s28], [sflag:$0x2] =	stream.indirect_vreg.gather [hbm4b:s7+s3], $0x80, v4, vm0, $0xb8;
	[tilespmem:$0x19000] =	vst v63  }
0x4d: {  	_ = 	snop  }
0x4e: {  	[tilespmem:s29], [sflag:$0x2] =	stream.indirect_vreg.gather [hbm4b:s8+s3], $0x80, v4, vm0, $0xb8;
	[tilespmem:$0x19000] =	vst v63  }
0x4f: {  	_ = 	snop  }
0x50: {  	[tilespmem:s30], [sflag:$0x2] =	stream.indirect_vreg.gather [hbm4b:s1+s3], $0x80, v3, vm0, $0xb8;
	[tilespmem:$0x19000] =	vst v63  }
0x51: {  	_ = 	snop  }
0x52: {  	[tilespmem:s31], [sflag:$0x2] =	stream.indirect_vreg.gather [hbm4b:s7+s3], $0x80, v3, vm0, $0xb8;
	[tilespmem:$0x19000] =	vst v63  }
0x53: {  	_ = 	snop  }
0x54: {  	[tilespmem:s0], [sflag:$0x2] =	stream.indirect_vreg.gather [hbm4b:s8+s3], $0x80, v3, vm0, $0xb8;
	[tilespmem:$0x19000] =	vst v63  }
0x55: {  	v3 =	vld [tilespmem:$0x30];
	_ =	sdelay $0x4  }
0x56: {  	v63 =	vshrl.u32 v3, $0x3  }
0x57: {  	v4 =	vmul.u32 $0x30, v63  }
0x58: {  	v3 =	vand.u32 $0x7, v3  }
0x59: {  	v3 =	vor.u32 v3, v4  }
0x5a: {  	v4 =	vperm.xlane v3, v0;
	_ =	sdelay $0x1  }
0x5b: {  	v4 =	vadd.s32 v1, v4;
	_ =	sdelay $0x3  }
0x5c: {  	v3 =	vperm.xlane v3, v2  }
0x5d: {  	[tilespmem:s2], [sflag:$0x2] =	stream.indirect_vreg.gather [hbm4b:s1+s3], $0x80, v4, vm0, $0xb8;
	[tilespmem:$0x19000] =	vst v63  }
0x5e: {  	v3 =	vadd.s32 v1, v3  }
0x5f: {  	[tilespmem:s12], [sflag:$0x2] =	stream.indirect_vreg.gather [hbm4b:s7+s3], $0x80, v4, vm0, $0xb8;
	[tilespmem:$0x19000] =	vst v63  }
0x60: {  	_ = 	snop  }
0x61: {  	[tilespmem:s14], [sflag:$0x2] =	stream.indirect_vreg.gather [hbm4b:s8+s3], $0x80, v4, vm0, $0xb8;
	[tilespmem:$0x19000] =	vst v63  }
0x62: {  	_ = 	snop  }
0x63: {  	[tilespmem:s15], [sflag:$0x2] =	stream.indirect_vreg.gather [hbm4b:s1+s3], $0x80, v3, vm0, $0xb8;
	[tilespmem:$0x19000] =	vst v63  }
0x64: {  	_ = 	snop  }
0x65: {  	[tilespmem:s16], [sflag:$0x2] =	stream.indirect_vreg.gather [hbm4b:s7+s3], $0x80, v3, vm0, $0xb8;
	[tilespmem:$0x19000] =	vst v63  }
.Ltmp2:
0x66: {  	_ = 	snop;
	(pc) =	sbr.rel .LBB2_2-.Ltmp2, $4  }
0x67: {  	[tilespmem:s17], [sflag:$0x2] =	stream.indirect_vreg.gather [hbm4b:s8+s3], $0x80, v3, vm0, $0xb8;
	[tilespmem:$0x19000] =	vst v63  }
0x68: {  	_ =	swait.ge [sflag:s18], $0xC000  }
0x69: {  	s21 =	simm.s32 $0xB0;
	[sflag:s18] =	ssyncset.done $0x0  }
0x6a: {  	s22 =	simm.s32 $0x820;
	s23 =	simm.s32 $0x0;
	[sflag:s18] =	ssyncadd.s32 $0xFFFF4000  }
.LBB2_4:
0x6b: {  	v3 =	vld [tilespmem:s22+$0xFFFFFFE0];
	_ =	sdelay $0x4  }
0x6c: {  	v4 =	vshrl.u32 v3, $0x3  }
0x6d: {  	v4 =	vmul.u32 $0x30, v4  }
0x6e: {  	v3 =	vand.u32 $0x7, v3  }
0x6f: {  	v3 =	vor.u32 v3, v4  }
0x70: {  	v4 =	vperm.xlane v3, v0;
	_ =	sdelay $0x1  }
0x71: {  	v4 =	vadd.s32 v1, v4  }
0x72: {  	s23 =	sand.u32 $0x1, s23  }
0x73: {  	p1 =	seq.s32 s23, $0x1;
	s23 =	simm.s32 $0xC000  }
0x74: {  	s23 =	simm.s32 @!p1 $0x0  }
0x75: {  	s25 =	sor.u32 $0x1000, s23;
	v3 =	vperm.xlane v3, v2  }
0x76: {  	[hbm4b:s4+s3] =	stream.indirect_vreg.scatter [tilespmem:s25], [sflag:$0x3], $0x80, v4, vm0, $0xb8;
	[tilespmem:$0x19000] =	vst v63  }
0x77: {  	s26 =	sor.u32 $0x1800, s23;
	v3 =	vadd.s32 v1, v3  }
0x78: {  	[hbm4b:s9+s3] =	stream.indirect_vreg.scatter [tilespmem:s26], [sflag:$0x3], $0x80, v4, vm0, $0xb8;
	[tilespmem:$0x19000] =	vst v63  }
0x79: {  	s26 =	sor.u32 $0x2000, s23  }
0x7a: {  	[hbm4b:s10+s3] =	stream.indirect_vreg.scatter [tilespmem:s26], [sflag:$0x3], $0x80, v4, vm0, $0xb8;
	[tilespmem:$0x19000] =	vst v63  }
0x7b: {  	s26 =	sor.u32 $0x2800, s23  }
0x7c: {  	[hbm4b:s4+s3] =	stream.indirect_vreg.scatter [tilespmem:s26], [sflag:$0x3], $0x80, v3, vm0, $0xb8;
	[tilespmem:$0x19000] =	vst v63  }
0x7d: {  	s26 =	sor.u32 $0x3000, s23  }
0x7e: {  	[hbm4b:s9+s3] =	stream.indirect_vreg.scatter [tilespmem:s26], [sflag:$0x3], $0x80, v3, vm0, $0xb8;
	[tilespmem:$0x19000] =	vst v63  }
0x7f: {  	s26 =	sor.u32 $0x3800, s23  }
0x80: {  	[hbm4b:s10+s3] =	stream.indirect_vreg.scatter [tilespmem:s26], [sflag:$0x3], $0x80, v3, vm0, $0xb8;
	[tilespmem:$0x19000] =	vst v63  }
0x81: {  	v3 =	vld [tilespmem:s22+$0xFFFFFFF0];
	_ =	sdelay $0x4  }
0x82: {  	v61 =	vshrl.u32 v3, $0x3  }
0x83: {  	v4 =	vmul.u32 $0x30, v61  }
0x84: {  	v3 =	vand.u32 $0x7, v3  }
0x85: {  	v3 =	vor.u32 v3, v4  }
0x86: {  	v4 =	vperm.xlane v3, v0;
	_ =	sdelay $0x1  }
0x87: {  	v4 =	vadd.s32 v1, v4;
	_ =	sdelay $0x3  }
0x88: {  	s26 =	sadd.s32 $0x4000, s23;
	v3 =	vperm.xlane v3, v2  }
0x89: {  	[hbm4b:s4+s3] =	stream.indirect_vreg.scatter [tilespmem:s26], [sflag:$0x3], $0x80, v4, vm0, $0xb8;
	[tilespmem:$0x19000] =	vst v63  }
0x8a: {  	v3 =	vadd.s32 v1, v3;
	s26 =	sadd.s32 $0x4800, s23  }
0x8b: {  	[hbm4b:s9+s3] =	stream.indirect_vreg.scatter [tilespmem:s26], [sflag:$0x3], $0x80, v4, vm0, $0xb8;
	[tilespmem:$0x19000] =	vst v63  }
0x8c: {  	s26 =	sadd.s32 $0x5000, s23  }
0x8d: {  	[hbm4b:s10+s3] =	stream.indirect_vreg.scatter [tilespmem:s26], [sflag:$0x3], $0x80, v4, vm0, $0xb8;
	[tilespmem:$0x19000] =	vst v63  }
0x8e: {  	s26 =	sadd.s32 $0x5800, s23  }
0x8f: {  	[hbm4b:s4+s3] =	stream.indirect_vreg.scatter [tilespmem:s26], [sflag:$0x3], $0x80, v3, vm0, $0xb8;
	[tilespmem:$0x19000] =	vst v63  }
0x90: {  	s26 =	sadd.s32 $0x6000, s23  }
0x91: {  	[hbm4b:s9+s3] =	stream.indirect_vreg.scatter [tilespmem:s26], [sflag:$0x3], $0x80, v3, vm0, $0xb8;
	[tilespmem:$0x19000] =	vst v63  }
0x92: {  	s26 =	sadd.s32 $0x6800, s23  }
0x93: {  	[hbm4b:s10+s3] =	stream.indirect_vreg.scatter [tilespmem:s26], [sflag:$0x3], $0x80, v3, vm0, $0xb8;
	[tilespmem:$0x19000] =	vst v63  }
0x94: {  	v3 =	vld [tilespmem:s22+$0x0];
	_ =	sdelay $0x4  }
0x95: {  	v62 =	vshrl.u32 v3, $0x3  }
0x96: {  	v4 =	vmul.u32 $0x30, v62  }
0x97: {  	v3 =	vand.u32 $0x7, v3  }
0x98: {  	v3 =	vor.u32 v3, v4  }
0x99: {  	v4 =	vperm.xlane v3, v0;
	_ =	sdelay $0x1  }
0x9a: {  	v4 =	vadd.s32 v1, v4;
	_ =	sdelay $0x3  }
0x9b: {  	s26 =	sadd.s32 $0x7000, s23;
	v3 =	vperm.xlane v3, v2  }
0x9c: {  	[hbm4b:s4+s3] =	stream.indirect_vreg.scatter [tilespmem:s26], [sflag:$0x3], $0x80, v4, vm0, $0xb8;
	[tilespmem:$0x19000] =	vst v63  }
0x9d: {  	v3 =	vadd.s32 v1, v3;
	s26 =	sadd.s32 $0x7800, s23  }
0x9e: {  	[hbm4b:s9+s3] =	stream.indirect_vreg.scatter [tilespmem:s26], [sflag:$0x3], $0x80, v4, vm0, $0xb8;
	[tilespmem:$0x19000] =	vst v63  }
0x9f: {  	s26 =	sadd.s32 $0x8000, s23  }
0xa0: {  	[hbm4b:s10+s3] =	stream.indirect_vreg.scatter [tilespmem:s26], [sflag:$0x3], $0x80, v4, vm0, $0xb8;
	[tilespmem:$0x19000] =	vst v63  }
0xa1: {  	s26 =	sadd.s32 $0x8800, s23  }
0xa2: {  	[hbm4b:s4+s3] =	stream.indirect_vreg.scatter [tilespmem:s26], [sflag:$0x3], $0x80, v3, vm0, $0xb8;
	[tilespmem:$0x19000] =	vst v63  }
0xa3: {  	s26 =	sadd.s32 $0x9000, s23  }
0xa4: {  	[hbm4b:s9+s3] =	stream.indirect_vreg.scatter [tilespmem:s26], [sflag:$0x3], $0x80, v3, vm0, $0xb8;
	[tilespmem:$0x19000] =	vst v63  }
0xa5: {  	s26 =	sadd.s32 $0x9800, s23  }
0xa6: {  	[hbm4b:s10+s3] =	stream.indirect_vreg.scatter [tilespmem:s26], [sflag:$0x3], $0x80, v3, vm0, $0xb8;
	[tilespmem:$0x19000] =	vst v63  }
0xa7: {  	v3 =	vld [tilespmem:s22+$0x10];
	_ =	sdelay $0x4  }
0xa8: {  	v63 =	vshrl.u32 v3, $0x3  }
0xa9: {  	v4 =	vmul.u32 $0x30, v63  }
0xaa: {  	v3 =	vand.u32 $0x7, v3  }
0xab: {  	v3 =	vor.u32 v3, v4  }
0xac: {  	v4 =	vperm.xlane v3, v0;
	_ =	sdelay $0x1  }
0xad: {  	v4 =	vadd.s32 v1, v4;
	_ =	sdelay $0x3  }
0xae: {  	s26 =	sadd.s32 $0xA000, s23;
	v3 =	vperm.xlane v3, v2  }
0xaf: {  	[hbm4b:s4+s3] =	stream.indirect_vreg.scatter [tilespmem:s26], [sflag:$0x3], $0x80, v4, vm0, $0xb8;
	[tilespmem:$0x19000] =	vst v63  }
0xb0: {  	v3 =	vadd.s32 v1, v3;
	s26 =	sadd.s32 $0xA800, s23  }
0xb1: {  	[hbm4b:s9+s3] =	stream.indirect_vreg.scatter [tilespmem:s26], [sflag:$0x3], $0x80, v4, vm0, $0xb8;
	[tilespmem:$0x19000] =	vst v63  }
0xb2: {  	s26 =	sadd.s32 $0xB000, s23  }
0xb3: {  	[hbm4b:s10+s3] =	stream.indirect_vreg.scatter [tilespmem:s26], [sflag:$0x3], $0x80, v4, vm0, $0xb8;
	[tilespmem:$0x19000] =	vst v63  }
0xb4: {  	s26 =	sadd.s32 $0xB800, s23  }
0xb5: {  	[hbm4b:s4+s3] =	stream.indirect_vreg.scatter [tilespmem:s26], [sflag:$0x3], $0x80, v3, vm0, $0xb8;
	[tilespmem:$0x19000] =	vst v63  }
0xb6: {  	s26 =	sadd.s32 $0xC000, s23  }
0xb7: {  	[hbm4b:s9+s3] =	stream.indirect_vreg.scatter [tilespmem:s26], [sflag:$0x3], $0x80, v3, vm0, $0xb8;
	[tilespmem:$0x19000] =	vst v63  }
0xb8: {  	p1 =	sne.s32 @!p0 s24, $0x10;
	s23 =	sadd.s32 $0xC800, s23  }
0xb9: {  	[hbm4b:s10+s3] =	stream.indirect_vreg.scatter [tilespmem:s23], [sflag:$0x3], $0x80, v3, vm0, $0xb8;
	[tilespmem:$0x19000] =	vst v63  }
0xba: {  	p1 =	por p0, !p1;
	_ =	swait.ge [sflag:s19], $0xC000  }
.Ltmp3:
0xbb: {  	[sflag:s19] =	ssyncset.done $0x0;
	(pc) =	sbr.rel @p1 .LBB2_5-.Ltmp3, $4  }
0xbc: {  	s23 =	simm.s32 @!p0 $0x2;
	[sflag:s19] =	ssyncadd.s32 $0xFFFF4000  }
0xbd: {  	_ =	swait.ge @!p0 [sflag:s23], $0xC000  }
0xbe: {  	s21 =	sadd.s32 @!p0 $0x80, s21;
	[sflag:s23] =	ssyncset.done @!p0 $0x0  }
0xbf: {  	s22 =	sadd.s32 @!p0 $0x80, s22;
	[sflag:s23] =	ssyncadd.s32 @!p0 $0xFFFF4000;
	s23 =	smov.u32 s24  }
.LBB2_2:
0xc0: {  	p0 =	seq.s32 s23, $0xF  }
.Ltmp4:
0xc1: {  	_ = 	snop;
	(pc) =	sbr.rel @p0 .LBB2_4-.Ltmp4, $2  }
0xc2: {  	_ =	sdelay $0x2  }
0xc3: {  	s24 =	sadd.s32 $0x1, s23  }
0xc4: {  	v3 =	vld [tilespmem:s21+$0xFFFFFFD0];
	_ =	sdelay $0x4  }
0xc5: {  	v4 =	vshrl.u32 v3, $0x3  }
0xc6: {  	v4 =	vmul.u32 $0x30, v4  }
0xc7: {  	v3 =	vand.u32 $0x7, v3  }
0xc8: {  	v3 =	vor.u32 v3, v4  }
0xc9: {  	v4 =	vperm.xlane v3, v0;
	_ =	sdelay $0x1  }
0xca: {  	v4 =	vadd.s32 v1, v4  }
0xcb: {  	s25 =	sand.u32 $0x1, s24  }
0xcc: {  	p1 =	seq.s32 s25, $0x1;
	s25 =	simm.s32 $0xC000  }
0xcd: {  	s25 =	simm.s32 @!p1 $0x0  }
0xce: {  	s26 =	sor.u32 $0x1000, s25;
	v3 =	vperm.xlane v3, v2  }
0xcf: {  	[tilespmem:s26], [sflag:$0x2] =	stream.indirect_vreg.gather [hbm4b:s1+s3], $0x80, v4, vm0, $0xb8;
	[tilespmem:$0x19000] =	vst v63  }
0xd0: {  	v3 =	vadd.s32 v1, v3;
	s26 =	sor.u32 $0x1800, s25  }
0xd1: {  	[tilespmem:s26], [sflag:$0x2] =	stream.indirect_vreg.gather [hbm4b:s7+s3], $0x80, v4, vm0, $0xb8;
	[tilespmem:$0x19000] =	vst v63  }
0xd2: {  	s26 =	sor.u32 $0x2000, s25  }
0xd3: {  	[tilespmem:s26], [sflag:$0x2] =	stream.indirect_vreg.gather [hbm4b:s8+s3], $0x80, v4, vm0, $0xb8;
	[tilespmem:$0x19000] =	vst v63  }
0xd4: {  	s26 =	sor.u32 $0x2800, s25  }
0xd5: {  	[tilespmem:s26], [sflag:$0x2] =	stream.indirect_vreg.gather [hbm4b:s1+s3], $0x80, v3, vm0, $0xb8;
	[tilespmem:$0x19000] =	vst v63  }
0xd6: {  	s26 =	sor.u32 $0x3000, s25  }
0xd7: {  	[tilespmem:s26], [sflag:$0x2] =	stream.indirect_vreg.gather [hbm4b:s7+s3], $0x80, v3, vm0, $0xb8;
	[tilespmem:$0x19000] =	vst v63  }
0xd8: {  	s26 =	sor.u32 $0x3800, s25  }
0xd9: {  	[tilespmem:s26], [sflag:$0x2] =	stream.indirect_vreg.gather [hbm4b:s8+s3], $0x80, v3, vm0, $0xb8;
	[tilespmem:$0x19000] =	vst v63  }
0xda: {  	v3 =	vld [tilespmem:s21+$0xFFFFFFE0];
	_ =	sdelay $0x4  }
0xdb: {  	v61 =	vshrl.u32 v3, $0x3  }
0xdc: {  	v4 =	vmul.u32 $0x30, v61  }
0xdd: {  	v3 =	vand.u32 $0x7, v3  }
0xde: {  	v3 =	vor.u32 v3, v4  }
0xdf: {  	v4 =	vperm.xlane v3, v0;
	_ =	sdelay $0x1  }
0xe0: {  	v4 =	vadd.s32 v1, v4;
	_ =	sdelay $0x3  }
0xe1: {  	s26 =	sadd.s32 $0x4000, s25;
	v3 =	vperm.xlane v3, v2  }
0xe2: {  	[tilespmem:s26], [sflag:$0x2] =	stream.indirect_vreg.gather [hbm4b:s1+s3], $0x80, v4, vm0, $0xb8;
	[tilespmem:$0x19000] =	vst v63  }
0xe3: {  	v3 =	vadd.s32 v1, v3;
	s26 =	sadd.s32 $0x4800, s25  }
0xe4: {  	[tilespmem:s26], [sflag:$0x2] =	stream.indirect_vreg.gather [hbm4b:s7+s3], $0x80, v4, vm0, $0xb8;
	[tilespmem:$0x19000] =	vst v63  }
0xe5: {  	s26 =	sadd.s32 $0x5000, s25  }
0xe6: {  	[tilespmem:s26], [sflag:$0x2] =	stream.indirect_vreg.gather [hbm4b:s8+s3], $0x80, v4, vm0, $0xb8;
	[tilespmem:$0x19000] =	vst v63  }
0xe7: {  	s26 =	sadd.s32 $0x5800, s25  }
0xe8: {  	[tilespmem:s26], [sflag:$0x2] =	stream.indirect_vreg.gather [hbm4b:s1+s3], $0x80, v3, vm0, $0xb8;
	[tilespmem:$0x19000] =	vst v63  }
0xe9: {  	s26 =	sadd.s32 $0x6000, s25  }
0xea: {  	[tilespmem:s26], [sflag:$0x2] =	stream.indirect_vreg.gather [hbm4b:s7+s3], $0x80, v3, vm0, $0xb8;
	[tilespmem:$0x19000] =	vst v63  }
0xeb: {  	s26 =	sadd.s32 $0x6800, s25  }
0xec: {  	[tilespmem:s26], [sflag:$0x2] =	stream.indirect_vreg.gather [hbm4b:s8+s3], $0x80, v3, vm0, $0xb8;
	[tilespmem:$0x19000] =	vst v63  }
0xed: {  	v3 =	vld [tilespmem:s21+$0xFFFFFFF0];
	_ =	sdelay $0x4  }
0xee: {  	v62 =	vshrl.u32 v3, $0x3  }
0xef: {  	v4 =	vmul.u32 $0x30, v62  }
0xf0: {  	v3 =	vand.u32 $0x7, v3  }
0xf1: {  	v3 =	vor.u32 v3, v4  }
0xf2: {  	v4 =	vperm.xlane v3, v0;
	_ =	sdelay $0x1  }
0xf3: {  	v4 =	vadd.s32 v1, v4;
	_ =	sdelay $0x3  }
0xf4: {  	s26 =	sadd.s32 $0x7000, s25;
	v3 =	vperm.xlane v3, v2  }
0xf5: {  	[tilespmem:s26], [sflag:$0x2] =	stream.indirect_vreg.gather [hbm4b:s1+s3], $0x80, v4, vm0, $0xb8;
	[tilespmem:$0x19000] =	vst v63  }
0xf6: {  	v3 =	vadd.s32 v1, v3;
	s26 =	sadd.s32 $0x7800, s25  }
0xf7: {  	[tilespmem:s26], [sflag:$0x2] =	stream.indirect_vreg.gather [hbm4b:s7+s3], $0x80, v4, vm0, $0xb8;
	[tilespmem:$0x19000] =	vst v63  }
0xf8: {  	s26 =	sadd.s32 $0x8000, s25  }
0xf9: {  	[tilespmem:s26], [sflag:$0x2] =	stream.indirect_vreg.gather [hbm4b:s8+s3], $0x80, v4, vm0, $0xb8;
	[tilespmem:$0x19000] =	vst v63  }
0xfa: {  	s26 =	sadd.s32 $0x8800, s25  }
0xfb: {  	[tilespmem:s26], [sflag:$0x2] =	stream.indirect_vreg.gather [hbm4b:s1+s3], $0x80, v3, vm0, $0xb8;
	[tilespmem:$0x19000] =	vst v63  }
0xfc: {  	s26 =	sadd.s32 $0x9000, s25  }
0xfd: {  	[tilespmem:s26], [sflag:$0x2] =	stream.indirect_vreg.gather [hbm4b:s7+s3], $0x80, v3, vm0, $0xb8;
	[tilespmem:$0x19000] =	vst v63  }
0xfe: {  	s26 =	sadd.s32 $0x9800, s25  }
0xff: {  	[tilespmem:s26], [sflag:$0x2] =	stream.indirect_vreg.gather [hbm4b:s8+s3], $0x80, v3, vm0, $0xb8;
	[tilespmem:$0x19000] =	vst v63  }
0x100: {  	v3 =	vld [tilespmem:s21+$0x0];
	_ =	sdelay $0x4  }
0x101: {  	v63 =	vshrl.u32 v3, $0x3  }
0x102: {  	v4 =	vmul.u32 $0x30, v63  }
0x103: {  	v3 =	vand.u32 $0x7, v3  }
0x104: {  	v3 =	vor.u32 v3, v4  }
0x105: {  	v4 =	vperm.xlane v3, v0;
	_ =	sdelay $0x1  }
0x106: {  	v4 =	vadd.s32 v1, v4;
	_ =	sdelay $0x3  }
0x107: {  	s26 =	sadd.s32 $0xA000, s25;
	v3 =	vperm.xlane v3, v2  }
0x108: {  	[tilespmem:s26], [sflag:$0x2] =	stream.indirect_vreg.gather [hbm4b:s1+s3], $0x80, v4, vm0, $0xb8;
	[tilespmem:$0x19000] =	vst v63  }
0x109: {  	v3 =	vadd.s32 v1, v3;
	s26 =	sadd.s32 $0xA800, s25  }
0x10a: {  	[tilespmem:s26], [sflag:$0x2] =	stream.indirect_vreg.gather [hbm4b:s7+s3], $0x80, v4, vm0, $0xb8;
	[tilespmem:$0x19000] =	vst v63  }
0x10b: {  	s26 =	sadd.s32 $0xB000, s25  }
0x10c: {  	[tilespmem:s26], [sflag:$0x2] =	stream.indirect_vreg.gather [hbm4b:s8+s3], $0x80, v4, vm0, $0xb8;
	[tilespmem:$0x19000] =	vst v63  }
0x10d: {  	s26 =	sadd.s32 $0xB800, s25  }
0x10e: {  	[tilespmem:s26], [sflag:$0x2] =	stream.indirect_vreg.gather [hbm4b:s1+s3], $0x80, v3, vm0, $0xb8;
	[tilespmem:$0x19000] =	vst v63  }
.Ltmp5:
0x10f: {  	_ = 	snop;
	(pc) =	sbr.rel .LBB2_4-.Ltmp5, $4  }
0x110: {  	s26 =	sadd.s32 $0xC000, s25  }
0x111: {  	[tilespmem:s26], [sflag:$0x2] =	stream.indirect_vreg.gather [hbm4b:s7+s3], $0x80, v3, vm0, $0xb8;
	[tilespmem:$0x19000] =	vst v63  }
0x112: {  	s25 =	sadd.s32 $0xC800, s25  }
0x113: {  	[tilespmem:s25], [sflag:$0x2] =	stream.indirect_vreg.gather [hbm4b:s8+s3], $0x80, v3, vm0, $0xb8;
	[tilespmem:$0x19000] =	vst v63  }
.LBB2_6:
0x114: {  	_ =	sfence.sel $0x180000  }
0x115: {  	[bflag:$0x0] =	sbarrier.arrive $0xFFFF  }
0x116: {  	_ =	strace $0x9000004A  }
0x117: {  	s0 =	stileid.u32;
	[bflag:$0x2] =	sbarrier.arrive $0xFFFF  }
0x118: {  	p0 =	sne.s32 s0, $0x0;
	s0 =	rddreg [dreg:$0x2]  }
0x119: {  	s0 =	sadd.s32 @!p0 $0x100000, s0  }
0x11a: {  	[sflag:s0] =	ssyncadd.tile.s32 @!p0 $0x1;
	_ =	shalt  }
.Lfunc_end2:
_tile_overlayer_lowered:
.L_overlay_start_2:
0x11b: {  	(tag) =	ssettag $0x2  }
0x11c: {  	s0 =	rddreg [dreg:$0x0];
	s2 =	stileid.u32  }
0x11d: {  	s1 =	rddreg [dreg:$0x1];
	p0 =	sne.s32 s2, $0x0  }
0x11e: {  	s3 =	rddreg [dreg:$0x2];
	[bflag:$0x3] =	sbarrier.arrive $0xFFFF;
	s2 =	simm.s32 @!p0 $0x1C04  }
0x11f: {  	[timem:s3], [sflag:s2] =	dma.local @!p0 [hbm:s0], s1  }
0x120: {  	s0 =	simm.s32 @!p0 $0x4  }
0x121: {  	_ =	swait.ge @!p0 [sflag:s0], s1  }
0x122: {  	s1 =	ssub.s32 @!p0 $0x0, s1;
	[sflag:s0] =	ssyncset.done @!p0 $0x0  }
0x123: {  	[sflag:s0] =	ssyncadd.s32 @!p0 s1  }
0x124: {  	[bflag:$0x3] =	sbarrier.arrive $0xFFFF  }
0x125: {  	_ =	shalt  }

// kernel: kernel.8.cloned.1.call-start
scs
__scs_entry_jumppad:
0x0: {  	(pc) =	sbr.rel $0x88, $3  }
0x1: {  	(tag) =	ssettag $0x0;
	lr =	simm.s32 $0x1  }
0x2: {  	[smem:$0x3F9E] =	sst lr;
	_ =	strace $0xD0000000  }
0x3: {  	_ = 	snop  }
0x4: {  	_ = 	snop  }
0x5: {  	_ = 	snop  }
0x6: {  	_ = 	snop  }
0x7: {  	_ = 	snop  }
__scs_overlays_trampoline_lowered:
0x8: {  	[smem:$0x3FAD] =	sst s0  }
0x9: {  	[smem:$0x3FAE] =	sst s1  }
0xa: {  	[smem:$0x3FAF] =	sst s2  }
0xb: {  	[smem:$0x3FB0] =	sst s3  }
0xc: {  	[smem:$0x3FB1] =	sst s4  }
0xd: {  	[smem:$0x3FB2] =	sst s5  }
0xe: {  	[smem:$0x3FB3] =	sst s6  }
0xf: {  	[smem:$0x3FB4] =	sst s7  }
0x10: {  	[smem:$0x3FB5] =	sst s8  }
0x11: {  	[smem:$0x3FB6] =	sst s9;
	s0 =	simm.s32 @!p0 $0x0  }
0x12: {  	s1 =	sld [smem:$0x3F9C];
	s0 =	simm.s32 @p0 $0x1  }
0x13: {  	[smem:$0x3FB7] =	sst s0;
	s0 =	simm.s32 @!p1 $0x0  }
0x14: {  	s2 =	sld [smem:$0x3F9B];
	s0 =	simm.s32 @p1 $0x1  }
0x15: {  	[smem:$0x3FB8] =	sst s0;
	s0 =	simm.s32 @!p2 $0x0  }
0x16: {  	s3 =	sld [smem:$0x3FDB];
	s0 =	simm.s32 @p2 $0x1  }
0x17: {  	s4 =	simm.s32 $0x1BF5;
	[smem:$0x3FBA] =	sst s0  }
0x18: {  	s0 =	sld [smem:$0x3F9D];
	_ =	swait.ge [sflag:s4], $0x0  }
0x19: {  	s7 =	sld [smem:$0x3F9E]  }
0x1a: {  	s8 =	sadd.s32 $0xFFFFE003, lr  }
0x1b: {  	s9 =	sadd.s32 $0xFFFFFEF7, lr;
	s5 =	simm.s32 $0xFFFFFFFF;
	p2 =	slt.u32 s8, $0xFFFFF086  }
0x1c: {  	p1 =	slt.u32 s9, $0xF7A;
	s5 =	simm.s32 @!p2 $0x0  }
0x1d: {  	s5 =	simm.s32 @p1 $0x1;
	p0 =	seq.s32 s7, s2  }
0x1e: {  	s7 =	smul.u32 @!p0 $0xF7A, s2;
	p2 =	seq.s32 @!p0 s5, $0x0  }
0x1f: {  	s9 =	smul.u32 $0xF7A, s1;
	s8 =	simm.s32 @!p0 $0x1BF5;
	p2 =	por !p2, p0  }
0x20: {  	[sflag:s8] =	ssyncset.s32 @!p0 $0xFFFFF086;
	s6 =	sadd.s32 @!p0 s3, s7;
	s7 =	simm.s32 @!p0 $0x108  }
0x21: {  	s3 =	sadd.s32 s3, s9;
	s6 =	sadd.s32 @!p0 $0x88, s6;
	s7 =	simm.s32 @p2 $0x1082  }
0x22: {  	[simem:s7], [sflag:s8] =	dma.local @!p0 [hbm:s6], $0xF7A  }
0x23: {  	s9 =	sor.u32 $0xD0000000, s2;
	s6 =	simm.s32 $0x108;
	_ =	swait.ge @!p0 [sflag:s8], $0x0  }
0x24: {  	s3 =	sadd.s32 $0x88, s3;
	s6 =	simm.s32 @!p1 $0x1082;
	[sflag:s4] =	ssyncset.s32 $0xFFFFF086  }
0x25: {  	[simem:s6], [sflag:s4] =	dma.local [hbm:s3], $0xF7A  }
0x26: {  	[smem:$0x3F9E] =	sst s1;
	(tag) =	ssettag s2;
	_ =	strace s9  }
0x27: {  	s1 =	sld [smem:$0x3FAE]  }
0x28: {  	s2 =	sld [smem:$0x3FAF]  }
0x29: {  	s4 =	sld [smem:$0x3FB1]  }
0x2a: {  	p0 =	seq.s32 s5, $0x0;
	s5 =	sld [smem:$0x3FB2]  }
0x2b: {  	s6 =	sld [smem:$0x3FB3]  }
0x2c: {  	s7 =	sld [smem:$0x3FB4]  }
0x2d: {  	s3 =	simm.s32 $0x108;
	s8 =	sld [smem:$0x3FB5]  }
0x2e: {  	s3 =	simm.s32 @!p0 $0x1082;
	s9 =	sld [smem:$0x3FB6]  }
0x2f: {  	lr =	sadd.s32 s0, s3;
	s0 =	sld [smem:$0x3FAD]  }
0x30: {  	s3 =	sld [smem:$0x3FB0]  }
0x31: {  	[smem:$0x3FB9] =	sst s10  }
0x32: {  	s10 =	sld [smem:$0x3FB7];
	_ =	sdelay $0x3  }
0x33: {  	p0 =	seq.s32 s10, $0x1;
	s10 =	sld [smem:$0x3FB9];
	_ =	sdelay $0x3  }
0x34: {  	[smem:$0x3FB9] =	sst s10  }
0x35: {  	s10 =	sld [smem:$0x3FB8];
	_ =	sdelay $0x3  }
0x36: {  	p1 =	seq.s32 s10, $0x1;
	s10 =	sld [smem:$0x3FB9];
	_ =	sdelay $0x3  }
0x37: {  	[smem:$0x3FB9] =	sst s10  }
0x38: {  	s10 =	sld [smem:$0x3FBA]  }
0x39: {  	_ = 	snop;
	(pc) =	sbr.ind lr, $3  }
0x3a: {  	_ = 	snop  }
0x3b: {  	_ = 	snop  }
0x3c: {  	p2 =	seq.s32 s10, $0x1;
	s10 =	sld [smem:$0x3FB9]  }
0x3d: {  	_ =	shalt  }
0x3e: {  	_ =	shalt  }
0x3f: {  	_ =	shalt  }
0x40: {  	_ =	shalt  }
0x41: {  	_ =	shalt  }
0x42: {  	_ =	shalt  }
0x43: {  	_ =	shalt  }
0x44: {  	_ =	shalt  }
0x45: {  	_ =	shalt  }
0x46: {  	_ =	shalt  }
0x47: {  	_ =	shalt  }
0x48: {  	_ =	shalt  }
0x49: {  	_ =	shalt  }
0x4a: {  	_ =	shalt  }
0x4b: {  	_ =	shalt  }
0x4c: {  	_ =	shalt  }
0x4d: {  	_ =	shalt  }
0x4e: {  	_ =	shalt  }
0x4f: {  	_ =	shalt  }
0x50: {  	_ =	shalt  }
0x51: {  	_ =	shalt  }
0x52: {  	_ =	shalt  }
0x53: {  	_ =	shalt  }
0x54: {  	_ =	shalt  }
0x55: {  	_ =	shalt  }
0x56: {  	_ =	shalt  }
0x57: {  	_ =	shalt  }
0x58: {  	_ =	shalt  }
0x59: {  	_ =	shalt  }
0x5a: {  	_ =	shalt  }
0x5b: {  	_ =	shalt  }
0x5c: {  	_ =	shalt  }
0x5d: {  	_ =	shalt  }
0x5e: {  	_ =	shalt  }
0x5f: {  	_ =	shalt  }
0x60: {  	_ =	shalt  }
0x61: {  	_ =	shalt  }
0x62: {  	_ =	shalt  }
0x63: {  	_ =	shalt  }
0x64: {  	_ =	shalt  }
0x65: {  	_ =	shalt  }
0x66: {  	_ =	shalt  }
0x67: {  	_ =	shalt  }
0x68: {  	_ =	shalt  }
0x69: {  	_ =	shalt  }
0x6a: {  	_ =	shalt  }
0x6b: {  	_ =	shalt  }
0x6c: {  	_ =	shalt  }
0x6d: {  	_ =	shalt  }
0x6e: {  	_ =	shalt  }
0x6f: {  	_ =	shalt  }
0x70: {  	_ =	shalt  }
0x71: {  	_ =	shalt  }
0x72: {  	_ =	shalt  }
0x73: {  	_ =	shalt  }
0x74: {  	_ =	shalt  }
0x75: {  	_ =	shalt  }
0x76: {  	_ =	shalt  }
0x77: {  	_ =	shalt  }
0x78: {  	_ =	shalt  }
0x79: {  	_ =	shalt  }
0x7a: {  	_ =	shalt  }
0x7b: {  	_ =	shalt  }
0x7c: {  	_ =	shalt  }
0x7d: {  	_ =	shalt  }
0x7e: {  	_ =	shalt  }
0x7f: {  	_ =	shalt  }
0x80: {  	_ =	shalt  }
0x81: {  	_ =	shalt  }
0x82: {  	_ =	shalt  }
0x83: {  	_ =	shalt  }
0x84: {  	_ =	shalt  }
0x85: {  	_ =	shalt  }
0x86: {  	_ =	shalt  }
0x87: {  	_ =	shalt  }
.Lfunc_end0:
.L_simem_size_0:
called_computation.2_lowered:
.L_overlay_start_0:
0x88: {  	s2 =	sld [smem:$0x3FD9]  }
0x89: {  	s3 =	sld [smem:$0x3FFE];
	_ =	sdelay $0x1  }
0x8a: {  	s1 =	srdreg.scid  }
0x8b: {  	s0 =	sand.u32 $0x1, s1  }
0x8c: {  	s17 =	sshll.u32 s0, $0xA;
	s2 =	sadd.s32 s3, s2  }
0x8d: {  	s2 =	sadd.s32 s2, s17  }
0x8e: {  	[smem:$0x3FC5] =	sst s2  }
0x8f: {  	_ = 	snop  }
0x90: {  	s2 =	sld [smem:$0x3FD0];
	(tm) =	ssettm $0x1  }
0x91: {  	s18 =	sld [smem:$0x3FFB];
	_ =	sdelay $0x3  }
0x92: {  	_ =	strace s18  }
0x93: {  	s3 =	sld [smem:$0x3FFC];
	_ =	sdelay $0x3  }
0x94: {  	_ =	strace s3  }
0x95: {  	s3 =	sld [smem:$0x3FFD];
	_ =	sdelay $0x3  }
0x96: {  	_ =	strace s3  }
0x97: {  	_ =	strace $0x8FFFFFFF  }
0x98: {  	s19 =	sld [smem:$0x3FDB];
	_ =	sdelay $0x1  }
0x99: {  	s4 =	simm.s32 $_scs_section_size  }
0x9a: {  	s5 =	simm.s32 $_size__tile_overlayer_lowered;
	s6 =	simm.s32 $_tile_overlayer_lowered  }
0x9b: {  	s22 =	simm.s32 $0x1BFF;
	s21 =	sshll.u32 s6, $0x1;
	s3 =	sadd.s32 s4, s19  }
0x9c: {  	s7 =	simm.s32 $0x0;
	s20 =	sshll.u32 s5, $0x1;
	s5 =	sadd.s32 s21, s3  }
0x9d: {  	[timem:s7], [sflag:s22] =	dma.local [hbm:s5], s20  }
0x9e: {  	_ =	swait.ge [sflag:s22], s20  }
0x9f: {  	s4 =	ssub.s32 $0x0, s20;
	[sflag:s22] =	ssyncset.done $0x0  }
0xa0: {  	[sflag:s22] =	ssyncadd.s32 s4;
	_ =	sdelay $0x1  }
0xa1: {  	s23 =	simm.s32 $0x1B8B  }
0xa2: {  	_ =	swait.ge [sflag:s23], $0x1  }
0xa3: {  	[sflag:s23] =	ssyncset.done $0x0  }
0xa4: {  	s25 =	simm.s32 $0x1B8E;
	s24 =	sld [smem:$0x3FFE];
	[sflag:s23] =	ssyncadd.s32 $0xFFFFFFFF  }
0xa5: {  	s26 =	simm.s32 $execute0_lowered;
	[smem:$0x3FD2] =	sst s25  }
0xa6: {  	s5 =	sshll.u32 s26, $0x1;
	_ =	strace $0x8000004C;
	[dreg:$0x1] =	wrdreg $0xFFFFFFFF  }
0xa7: {  	s28 =	simm.s32 $_size_execute0_lowered;
	s3 =	sadd.s32 s3, s5;
	[dreg:$0x0] =	wrdreg $0x0  }
0xa8: {  	s5 =	sshll.u32 s28, $0x1;
	[dreg:$0x2] =	wrdreg s3  }
0xa9: {  	[dreg:$0x3] =	wrdreg s5  }
0xaa: {  	[dreg:$0x4] =	wrdreg $0xC0  }
0xab: {  	_ =	task [dreg:s7], $0x5FFFF  }
0xac: {  	[dreg:$0x1] =	wrdreg $0xFFFFFFFF  }
0xad: {  	[dreg:$0x0] =	wrdreg $0x60  }
0xae: {  	[dreg:$0x2] =	wrdreg s24  }
0xaf: {  	[dreg:$0x3] =	wrdreg s2  }
0xb0: {  	[dreg:$0x4] =	wrdreg $0x9  }
0xb1: {  	_ =	task.clear_ibuf [dreg:s7], $0x5FFFF;
	_ =	strace $0x9000004C  }
0xb2: {  	s29 =	simm.s32 $0x9;
	_ =	strace $0x8000004E  }
0xb3: {  	_ =	swait.ge [sflag:s29], $0x1  }
0xb4: {  	[sflag:s29] =	ssyncadd.s32 $0xFFFFFFFF  }
0xb5: {  	_ =	strace $0x9000004E  }
0xb6: {  	_ =	sfence  }
0xb7: {  	s30 =	sld [smem:$0x0];
	_ =	sdelay $0x2  }
0xb8: {  	s31 =	sshll.u32 s1, $0xD;
	s1 =	sshrl.u32 s1, $0x2  }
0xb9: {  	s3 =	sand.u32 $0x4000, s31;
	s1 =	sadd.s32 s1, s30  }
0xba: {  	s0 =	sor.u32 s3, s0;
	s1 =	sshll.u32 s1, $0x11  }
0xbb: {  	s0 =	sor.u32 s1, s0  }
0xbc: {  	s0 =	sadd.s32 $0x8F2B, s0  }
0xbd: {  	[sflag:s0] =	ssyncadd.remote.s32 $0x1  }
0xbe: {  	_ =	sfence.sel $0xFFFF  }
0xbf: {  	[dreg:$0x0] =	wrdreg $0xFFFFFFFF;
	(pc) =	sbr.abs _section_cstart, $3  }
0xc0: {  	[dreg:$0x1] =	wrdreg $0xFFFFFFFF  }
0xc1: {  	_ =	task.clear_ibuf [dreg:s7], $0x2FFFF;
	_ =	strace $0x9FFFFFFF  }
0xc2: {  	(tm) =	ssettm $0x7FFFFFFF  }
0xc3: {  	_ =	shalt  }
tec
execute0_lowered:
.L_overlay_start_1:
0x0: {  	(tag) =	ssettag $0x1  }
0x1: {  	s0 =	rddreg [dreg:$0x0]  }
0x2: {  	s2 =	rddreg [dreg:$0x1]  }
0x3: {  	s1 =	srdreg.scid;
	s3 =	simm.s32 $0x0;
	s4 =	stileid.u32  }
0x4: {  	s13 =	simm.s32 $0x1;
	s28 =	simm.s32 $0x7800;
	s29 =	simm.s32 $0x8000  }
0x5: {  	s30 =	simm.s32 $0x8800;
	s31 =	simm.s32 $0x9000;
	s12 =	simm.s32 $0xA800  }
0x6: {  	s14 =	simm.s32 $0xB000;
	s15 =	simm.s32 $0xB800;
	s16 =	simm.s32 $0xC000  }
0x7: {  	s17 =	simm.s32 $0xC800;
	s18 =	simm.s32 $0x2;
	s19 =	simm.s32 $0x3  }
0x8: {  	s20 =	simm.s32 $0x0;
	[smem:$0x7FF] =	sst s3;
	s4 =	sshll.u32 s4, $0x9  }
0x9: {  	s1 =	sand.u32 $0x1, s1;
	s7 =	sadd.s32 $0x484300, s0;
	s8 =	sadd.s32 $0x484400, s0  }
.Ltmp0:
0xa: {  	s9 =	sadd.s32 $0x100, s2;
	s10 =	sadd.s32 $0x200, s2;
	(pc) =	sbr.rel .LBB2_1-.Ltmp0, $4  }
0xb: {  	s5 =	sshll.u32 s1, $0x8;
	_ =	strace $0x8000004D;
	s1 =	ssub.s32 $0x2, s1  }
0xc: {  	v2 =	vlaneseq.u32;
	s5 =	sor.u32 s5, s4;
	s4 =	sadd.s32 $0x484200, s0;
	s6 =	sshrl.u32 s1, $0x1  }
0xd: {  	vm0 =	vmmov $0xffff;
	v1 =	vshrl.u32 v2, $0x3;
	s5 =	sadd.s32 s0, s5;
	s1 =	ssub.s32 s1, s6;
	s0 =	simm.s32 $0x9800  }
0xe: {  	v0 =	vand.u32 $0x7, v2;
	v2 =	vor.u32 $0x8, v2;
	v1 =	vmul.u32 $0x8, v1;
	s6 =	sadd.s32 $0x2200, s5;
	s11 =	smax.u32 s1, $0x1;
	s1 =	simm.s32 $0xA000  }
.LBB2_5:
0xf: {  	s20 =	sadd.s32 $0x1, s20  }
0x10: {  	p0 =	sne.s32 s20, s11  }
.Ltmp1:
0x11: {  	_ = 	snop;
	(pc) =	sbr.rel @!p0 .LBB2_6-.Ltmp1, $1  }
0x12: {  	_ =	sdelay $0x3  }
.LBB2_1:
0x13: {  	[tilespmem:s3], [sflag:$0x1] =	stream.linear.gather [hbm4b:s5+s3], $0x800, $0x38;
	[tilespmem:$0x19000] =	vst v63  }
0x14: {  	s21 =	simm.s32 $0x800  }
0x15: {  	[tilespmem:s21], [sflag:$0x1] =	stream.linear.gather [hbm4b:s6+s3], $0x800, $0x38;
	[tilespmem:$0x19000] =	vst v63  }
0x16: {  	_ =	swait.ge [sflag:s13], $0x800  }
0x17: {  	[sflag:s13] =	ssyncset.done $0x0  }
0x18: {  	[sflag:s13] =	ssyncadd.s32 $0xFFFFF800  }
0x19: {  	_ =	swait.ge [sflag:s13], $0x800  }
0x1a: {  	[sflag:s13] =	ssyncset.done $0x0  }
0x1b: {  	[sflag:s13] =	ssyncadd.s32 $0xFFFFF800  }
0x1c: {  	v3 =	vld [tilespmem:$0x0];
	_ =	sdelay $0x4  }
0x1d: {  	v4 =	vshrl.u32 v3, $0x3  }
0x1e: {  	v4 =	vmul.u32 $0x30, v4  }
0x1f: {  	v3 =	vand.u32 $0x7, v3  }
0x20: {  	v3 =	vor.u32 v3, v4  }
0x21: {  	v4 =	vperm.xlane v3, v0;
	_ =	sdelay $0x1  }
0x22: {  	v4 =	vadd.s32 v1, v4;
	_ =	sdelay $0x3  }
0x23: {  	s24 =	simm.s32 $0x1000;
	v3 =	vperm.xlane v3, v2  }
0x24: {  	[tilespmem:s24], [sflag:$0x2] =	stream.indirect_vreg.gather [hbm4b:s4+s3], $0x80, v4, vm0, $0xb8;
	[tilespmem:$0x19000] =	vst v63  }
0x25: {  	s25 =	simm.s32 $0x1800;
	v3 =	vadd.s32 v1, v3  }
0x26: {  	[tilespmem:s25], [sflag:$0x2] =	stream.indirect_vreg.gather [hbm4b:s7+s3], $0x80, v4, vm0, $0xb8;
	[tilespmem:$0x19000] =	vst v63  }
0x27: {  	s26 =	simm.s32 $0x2000  }
0x28: {  	[tilespmem:s26], [sflag:$0x2] =	stream.indirect_vreg.gather [hbm4b:s8+s3], $0x80, v4, vm0, $0xb8;
	[tilespmem:$0x19000] =	vst v63  }
0x29: {  	s22 =	simm.s32 $0x2800  }
0x2a: {  	[tilespmem:s22], [sflag:$0x2] =	stream.indirect_vreg.gather [hbm4b:s4+s3], $0x80, v3, vm0, $0xb8;
	[tilespmem:$0x19000] =	vst v63  }
0x2b: {  	s23 =	simm.s32 $0x3000  }
0x2c: {  	[tilespmem:s23], [sflag:$0x2] =	stream.indirect_vreg.gather [hbm4b:s7+s3], $0x80, v3, vm0, $0xb8;
	[tilespmem:$0x19000] =	vst v63  }
0x2d: {  	s24 =	simm.s32 $0x3800  }
0x2e: {  	[tilespmem:s24], [sflag:$0x2] =	stream.indirect_vreg.gather [hbm4b:s8+s3], $0x80, v3, vm0, $0xb8;
	[tilespmem:$0x19000] =	vst v63  }
0x2f: {  	v3 =	vld [tilespmem:$0x10];
	_ =	sdelay $0x4  }
0x30: {  	v61 =	vshrl.u32 v3, $0x3  }
0x31: {  	v4 =	vmul.u32 $0x30, v61  }
0x32: {  	v3 =	vand.u32 $0x7, v3  }
0x33: {  	v3 =	vor.u32 v3, v4  }
0x34: {  	v4 =	vperm.xlane v3, v0;
	_ =	sdelay $0x1  }
0x35: {  	v4 =	vadd.s32 v1, v4;
	_ =	sdelay $0x3  }
0x36: {  	s25 =	simm.s32 $0x4000;
	v3 =	vperm.xlane v3, v2  }
0x37: {  	[tilespmem:s25], [sflag:$0x2] =	stream.indirect_vreg.gather [hbm4b:s4+s3], $0x80, v4, vm0, $0xb8;
	[tilespmem:$0x19000] =	vst v63  }
0x38: {  	s26 =	simm.s32 $0x4800;
	v3 =	vadd.s32 v1, v3  }
0x39: {  	[tilespmem:s26], [sflag:$0x2] =	stream.indirect_vreg.gather [hbm4b:s7+s3], $0x80, v4, vm0, $0xb8;
	[tilespmem:$0x19000] =	vst v63  }
0x3a: {  	s22 =	simm.s32 $0x5000  }
0x3b: {  	[tilespmem:s22], [sflag:$0x2] =	stream.indirect_vreg.gather [hbm4b:s8+s3], $0x80, v4, vm0, $0xb8;
	[tilespmem:$0x19000] =	vst v63  }
0x3c: {  	s23 =	simm.s32 $0x5800  }
0x3d: {  	[tilespmem:s23], [sflag:$0x2] =	stream.indirect_vreg.gather [hbm4b:s4+s3], $0x80, v3, vm0, $0xb8;
	[tilespmem:$0x19000] =	vst v63  }
0x3e: {  	s24 =	simm.s32 $0x6000  }
0x3f: {  	[tilespmem:s24], [sflag:$0x2] =	stream.indirect_vreg.gather [hbm4b:s7+s3], $0x80, v3, vm0, $0xb8;
	[tilespmem:$0x19000] =	vst v63  }
0x40: {  	s25 =	simm.s32 $0x6800  }
0x41: {  	[tilespmem:s25], [sflag:$0x2] =	stream.indirect_vreg.gather [hbm4b:s8+s3], $0x80, v3, vm0, $0xb8;
	[tilespmem:$0x19000] =	vst v63  }
0x42: {  	v3 =	vld [tilespmem:$0x20];
	_ =	sdelay $0x4  }
0x43: {  	v62 =	vshrl.u32 v3, $0x3  }
0x44: {  	v4 =	vmul.u32 $0x30, v62  }
0x45: {  	v3 =	vand.u32 $0x7, v3  }
0x46: {  	v3 =	vor.u32 v3, v4  }
0x47: {  	v4 =	vperm.xlane v3, v0;
	_ =	sdelay $0x1  }
0x48: {  	v4 =	vadd.s32 v1, v4;
	_ =	sdelay $0x3  }
0x49: {  	s26 =	simm.s32 $0x7000;
	v3 =	vperm.xlane v3, v2  }
0x4a: {  	[tilespmem:s26], [sflag:$0x2] =	stream.indirect_vreg.gather [hbm4b:s4+s3], $0x80, v4, vm0, $0xb8;
	[tilespmem:$0x19000] =	vst v63  }
0x4b: {  	v3 =	vadd.s32 v1, v3  }
0x4c: {  	[tilespmem:s28], [sflag:$0x2] =	stream.indirect_vreg.gather [hbm4b:s7+s3], $0x80, v4, vm0, $0xb8;
	[tilespmem:$0x19000] =	vst v63  }
0x4d: {  	_ = 	snop  }
0x4e: {  	[tilespmem:s29], [sflag:$0x2] =	stream.indirect_vreg.gather [hbm4b:s8+s3], $0x80, v4, vm0, $0xb8;
	[tilespmem:$0x19000] =	vst v63  }
0x4f: {  	_ = 	snop  }
0x50: {  	[tilespmem:s30], [sflag:$0x2] =	stream.indirect_vreg.gather [hbm4b:s4+s3], $0x80, v3, vm0, $0xb8;
	[tilespmem:$0x19000] =	vst v63  }
0x51: {  	_ = 	snop  }
0x52: {  	[tilespmem:s31], [sflag:$0x2] =	stream.indirect_vreg.gather [hbm4b:s7+s3], $0x80, v3, vm0, $0xb8;
	[tilespmem:$0x19000] =	vst v63  }
0x53: {  	_ = 	snop  }
0x54: {  	[tilespmem:s0], [sflag:$0x2] =	stream.indirect_vreg.gather [hbm4b:s8+s3], $0x80, v3, vm0, $0xb8;
	[tilespmem:$0x19000] =	vst v63  }
0x55: {  	v3 =	vld [tilespmem:$0x30];
	_ =	sdelay $0x4  }
0x56: {  	v63 =	vshrl.u32 v3, $0x3  }
0x57: {  	v4 =	vmul.u32 $0x30, v63  }
0x58: {  	v3 =	vand.u32 $0x7, v3  }
0x59: {  	v3 =	vor.u32 v3, v4  }
0x5a: {  	v4 =	vperm.xlane v3, v0;
	_ =	sdelay $0x1  }
0x5b: {  	v4 =	vadd.s32 v1, v4;
	_ =	sdelay $0x3  }
0x5c: {  	v3 =	vperm.xlane v3, v2  }
0x5d: {  	[tilespmem:s1], [sflag:$0x2] =	stream.indirect_vreg.gather [hbm4b:s4+s3], $0x80, v4, vm0, $0xb8;
	[tilespmem:$0x19000] =	vst v63  }
0x5e: {  	v3 =	vadd.s32 v1, v3  }
0x5f: {  	[tilespmem:s12], [sflag:$0x2] =	stream.indirect_vreg.gather [hbm4b:s7+s3], $0x80, v4, vm0, $0xb8;
	[tilespmem:$0x19000] =	vst v63  }
0x60: {  	_ = 	snop  }
0x61: {  	[tilespmem:s14], [sflag:$0x2] =	stream.indirect_vreg.gather [hbm4b:s8+s3], $0x80, v4, vm0, $0xb8;
	[tilespmem:$0x19000] =	vst v63  }
0x62: {  	_ = 	snop  }
0x63: {  	[tilespmem:s15], [sflag:$0x2] =	stream.indirect_vreg.gather [hbm4b:s4+s3], $0x80, v3, vm0, $0xb8;
	[tilespmem:$0x19000] =	vst v63  }
0x64: {  	_ = 	snop  }
0x65: {  	[tilespmem:s16], [sflag:$0x2] =	stream.indirect_vreg.gather [hbm4b:s7+s3], $0x80, v3, vm0, $0xb8;
	[tilespmem:$0x19000] =	vst v63  }
.Ltmp2:
0x66: {  	_ = 	snop;
	(pc) =	sbr.rel .LBB2_2-.Ltmp2, $4  }
0x67: {  	[tilespmem:s17], [sflag:$0x2] =	stream.indirect_vreg.gather [hbm4b:s8+s3], $0x80, v3, vm0, $0xb8;
	[tilespmem:$0x19000] =	vst v63  }
0x68: {  	_ =	swait.ge [sflag:s18], $0xC000  }
0x69: {  	s21 =	simm.s32 $0xB0;
	[sflag:s18] =	ssyncset.done $0x0  }
0x6a: {  	s22 =	simm.s32 $0x820;
	s23 =	simm.s32 $0x0;
	[sflag:s18] =	ssyncadd.s32 $0xFFFF4000  }
.LBB2_4:
0x6b: {  	v3 =	vld [tilespmem:s22+$0xFFFFFFE0];
	_ =	sdelay $0x4  }
0x6c: {  	v4 =	vshrl.u32 v3, $0x3  }
0x6d: {  	v4 =	vmul.u32 $0x30, v4  }
0x6e: {  	v3 =	vand.u32 $0x7, v3  }
0x6f: {  	v3 =	vor.u32 v3, v4  }
0x70: {  	v4 =	vperm.xlane v3, v0;
	_ =	sdelay $0x1  }
0x71: {  	v4 =	vadd.s32 v1, v4  }
0x72: {  	s23 =	sand.u32 $0x1, s23  }
0x73: {  	p1 =	seq.s32 s23, $0x1;
	s23 =	simm.s32 $0xC000  }
0x74: {  	s23 =	simm.s32 @!p1 $0x0  }
0x75: {  	s25 =	sor.u32 $0x1000, s23;
	v3 =	vperm.xlane v3, v2  }
0x76: {  	[hbm4b:s2+s3] =	stream.indirect_vreg.scatter [tilespmem:s25], [sflag:$0x3], $0x80, v4, vm0, $0xb8;
	[tilespmem:$0x19000] =	vst v63  }
0x77: {  	s26 =	sor.u32 $0x1800, s23;
	v3 =	vadd.s32 v1, v3  }
0x78: {  	[hbm4b:s9+s3] =	stream.indirect_vreg.scatter [tilespmem:s26], [sflag:$0x3], $0x80, v4, vm0, $0xb8;
	[tilespmem:$0x19000] =	vst v63  }
0x79: {  	s26 =	sor.u32 $0x2000, s23  }
0x7a: {  	[hbm4b:s10+s3] =	stream.indirect_vreg.scatter [tilespmem:s26], [sflag:$0x3], $0x80, v4, vm0, $0xb8;
	[tilespmem:$0x19000] =	vst v63  }
0x7b: {  	s26 =	sor.u32 $0x2800, s23  }
0x7c: {  	[hbm4b:s2+s3] =	stream.indirect_vreg.scatter [tilespmem:s26], [sflag:$0x3], $0x80, v3, vm0, $0xb8;
	[tilespmem:$0x19000] =	vst v63  }
0x7d: {  	s26 =	sor.u32 $0x3000, s23  }
0x7e: {  	[hbm4b:s9+s3] =	stream.indirect_vreg.scatter [tilespmem:s26], [sflag:$0x3], $0x80, v3, vm0, $0xb8;
	[tilespmem:$0x19000] =	vst v63  }
0x7f: {  	s26 =	sor.u32 $0x3800, s23  }
0x80: {  	[hbm4b:s10+s3] =	stream.indirect_vreg.scatter [tilespmem:s26], [sflag:$0x3], $0x80, v3, vm0, $0xb8;
	[tilespmem:$0x19000] =	vst v63  }
0x81: {  	v3 =	vld [tilespmem:s22+$0xFFFFFFF0];
	_ =	sdelay $0x4  }
0x82: {  	v61 =	vshrl.u32 v3, $0x3  }
0x83: {  	v4 =	vmul.u32 $0x30, v61  }
0x84: {  	v3 =	vand.u32 $0x7, v3  }
0x85: {  	v3 =	vor.u32 v3, v4  }
0x86: {  	v4 =	vperm.xlane v3, v0;
	_ =	sdelay $0x1  }
0x87: {  	v4 =	vadd.s32 v1, v4;
	_ =	sdelay $0x3  }
0x88: {  	s26 =	sadd.s32 $0x4000, s23;
	v3 =	vperm.xlane v3, v2  }
0x89: {  	[hbm4b:s2+s3] =	stream.indirect_vreg.scatter [tilespmem:s26], [sflag:$0x3], $0x80, v4, vm0, $0xb8;
	[tilespmem:$0x19000] =	vst v63  }
0x8a: {  	v3 =	vadd.s32 v1, v3;
	s26 =	sadd.s32 $0x4800, s23  }
0x8b: {  	[hbm4b:s9+s3] =	stream.indirect_vreg.scatter [tilespmem:s26], [sflag:$0x3], $0x80, v4, vm0, $0xb8;
	[tilespmem:$0x19000] =	vst v63  }
0x8c: {  	s26 =	sadd.s32 $0x5000, s23  }
0x8d: {  	[hbm4b:s10+s3] =	stream.indirect_vreg.scatter [tilespmem:s26], [sflag:$0x3], $0x80, v4, vm0, $0xb8;
	[tilespmem:$0x19000] =	vst v63  }
0x8e: {  	s26 =	sadd.s32 $0x5800, s23  }
0x8f: {  	[hbm4b:s2+s3] =	stream.indirect_vreg.scatter [tilespmem:s26], [sflag:$0x3], $0x80, v3, vm0, $0xb8;
	[tilespmem:$0x19000] =	vst v63  }
0x90: {  	s26 =	sadd.s32 $0x6000, s23  }
0x91: {  	[hbm4b:s9+s3] =	stream.indirect_vreg.scatter [tilespmem:s26], [sflag:$0x3], $0x80, v3, vm0, $0xb8;
	[tilespmem:$0x19000] =	vst v63  }
0x92: {  	s26 =	sadd.s32 $0x6800, s23  }
0x93: {  	[hbm4b:s10+s3] =	stream.indirect_vreg.scatter [tilespmem:s26], [sflag:$0x3], $0x80, v3, vm0, $0xb8;
	[tilespmem:$0x19000] =	vst v63  }
0x94: {  	v3 =	vld [tilespmem:s22+$0x0];
	_ =	sdelay $0x4  }
0x95: {  	v62 =	vshrl.u32 v3, $0x3  }
0x96: {  	v4 =	vmul.u32 $0x30, v62  }
0x97: {  	v3 =	vand.u32 $0x7, v3  }
0x98: {  	v3 =	vor.u32 v3, v4  }
0x99: {  	v4 =	vperm.xlane v3, v0;
	_ =	sdelay $0x1  }
0x9a: {  	v4 =	vadd.s32 v1, v4;
	_ =	sdelay $0x3  }
0x9b: {  	s26 =	sadd.s32 $0x7000, s23;
	v3 =	vperm.xlane v3, v2  }
0x9c: {  	[hbm4b:s2+s3] =	stream.indirect_vreg.scatter [tilespmem:s26], [sflag:$0x3], $0x80, v4, vm0, $0xb8;
	[tilespmem:$0x19000] =	vst v63  }
0x9d: {  	v3 =	vadd.s32 v1, v3;
	s26 =	sadd.s32 $0x7800, s23  }
0x9e: {  	[hbm4b:s9+s3] =	stream.indirect_vreg.scatter [tilespmem:s26], [sflag:$0x3], $0x80, v4, vm0, $0xb8;
	[tilespmem:$0x19000] =	vst v63  }
0x9f: {  	s26 =	sadd.s32 $0x8000, s23  }
0xa0: {  	[hbm4b:s10+s3] =	stream.indirect_vreg.scatter [tilespmem:s26], [sflag:$0x3], $0x80, v4, vm0, $0xb8;
	[tilespmem:$0x19000] =	vst v63  }
0xa1: {  	s26 =	sadd.s32 $0x8800, s23  }
0xa2: {  	[hbm4b:s2+s3] =	stream.indirect_vreg.scatter [tilespmem:s26], [sflag:$0x3], $0x80, v3, vm0, $0xb8;
	[tilespmem:$0x19000] =	vst v63  }
0xa3: {  	s26 =	sadd.s32 $0x9000, s23  }
0xa4: {  	[hbm4b:s9+s3] =	stream.indirect_vreg.scatter [tilespmem:s26], [sflag:$0x3], $0x80, v3, vm0, $0xb8;
	[tilespmem:$0x19000] =	vst v63  }
0xa5: {  	s26 =	sadd.s32 $0x9800, s23  }
0xa6: {  	[hbm4b:s10+s3] =	stream.indirect_vreg.scatter [tilespmem:s26], [sflag:$0x3], $0x80, v3, vm0, $0xb8;
	[tilespmem:$0x19000] =	vst v63  }
0xa7: {  	v3 =	vld [tilespmem:s22+$0x10];
	_ =	sdelay $0x4  }
0xa8: {  	v63 =	vshrl.u32 v3, $0x3  }
0xa9: {  	v4 =	vmul.u32 $0x30, v63  }
0xaa: {  	v3 =	vand.u32 $0x7, v3  }
0xab: {  	v3 =	vor.u32 v3, v4  }
0xac: {  	v4 =	vperm.xlane v3, v0;
	_ =	sdelay $0x1  }
0xad: {  	v4 =	vadd.s32 v1, v4;
	_ =	sdelay $0x3  }
0xae: {  	s26 =	sadd.s32 $0xA000, s23;
	v3 =	vperm.xlane v3, v2  }
0xaf: {  	[hbm4b:s2+s3] =	stream.indirect_vreg.scatter [tilespmem:s26], [sflag:$0x3], $0x80, v4, vm0, $0xb8;
	[tilespmem:$0x19000] =	vst v63  }
0xb0: {  	v3 =	vadd.s32 v1, v3;
	s26 =	sadd.s32 $0xA800, s23  }
0xb1: {  	[hbm4b:s9+s3] =	stream.indirect_vreg.scatter [tilespmem:s26], [sflag:$0x3], $0x80, v4, vm0, $0xb8;
	[tilespmem:$0x19000] =	vst v63  }
0xb2: {  	s26 =	sadd.s32 $0xB000, s23  }
0xb3: {  	[hbm4b:s10+s3] =	stream.indirect_vreg.scatter [tilespmem:s26], [sflag:$0x3], $0x80, v4, vm0, $0xb8;
	[tilespmem:$0x19000] =	vst v63  }
0xb4: {  	s26 =	sadd.s32 $0xB800, s23  }
0xb5: {  	[hbm4b:s2+s3] =	stream.indirect_vreg.scatter [tilespmem:s26], [sflag:$0x3], $0x80, v3, vm0, $0xb8;
	[tilespmem:$0x19000] =	vst v63  }
0xb6: {  	s26 =	sadd.s32 $0xC000, s23  }
0xb7: {  	[hbm4b:s9+s3] =	stream.indirect_vreg.scatter [tilespmem:s26], [sflag:$0x3], $0x80, v3, vm0, $0xb8;
	[tilespmem:$0x19000] =	vst v63  }
0xb8: {  	p1 =	sne.s32 @!p0 s24, $0x10;
	s23 =	sadd.s32 $0xC800, s23  }
0xb9: {  	[hbm4b:s10+s3] =	stream.indirect_vreg.scatter [tilespmem:s23], [sflag:$0x3], $0x80, v3, vm0, $0xb8;
	[tilespmem:$0x19000] =	vst v63  }
0xba: {  	p1 =	por p0, !p1;
	_ =	swait.ge [sflag:s19], $0xC000  }
.Ltmp3:
0xbb: {  	[sflag:s19] =	ssyncset.done $0x0;
	(pc) =	sbr.rel @p1 .LBB2_5-.Ltmp3, $4  }
0xbc: {  	s23 =	simm.s32 @!p0 $0x2;
	[sflag:s19] =	ssyncadd.s32 $0xFFFF4000  }
0xbd: {  	_ =	swait.ge @!p0 [sflag:s23], $0xC000  }
0xbe: {  	s21 =	sadd.s32 @!p0 $0x80, s21;
	[sflag:s23] =	ssyncset.done @!p0 $0x0  }
0xbf: {  	s22 =	sadd.s32 @!p0 $0x80, s22;
	[sflag:s23] =	ssyncadd.s32 @!p0 $0xFFFF4000;
	s23 =	smov.u32 s24  }
.LBB2_2:
0xc0: {  	p0 =	seq.s32 s23, $0xF  }
.Ltmp4:
0xc1: {  	_ = 	snop;
	(pc) =	sbr.rel @p0 .LBB2_4-.Ltmp4, $2  }
0xc2: {  	_ =	sdelay $0x2  }
0xc3: {  	s24 =	sadd.s32 $0x1, s23  }
0xc4: {  	v3 =	vld [tilespmem:s21+$0xFFFFFFD0];
	_ =	sdelay $0x4  }
0xc5: {  	v4 =	vshrl.u32 v3, $0x3  }
0xc6: {  	v4 =	vmul.u32 $0x30, v4  }
0xc7: {  	v3 =	vand.u32 $0x7, v3  }
0xc8: {  	v3 =	vor.u32 v3, v4  }
0xc9: {  	v4 =	vperm.xlane v3, v0;
	_ =	sdelay $0x1  }
0xca: {  	v4 =	vadd.s32 v1, v4  }
0xcb: {  	s25 =	sand.u32 $0x1, s24  }
0xcc: {  	p1 =	seq.s32 s25, $0x1;
	s25 =	simm.s32 $0xC000  }
0xcd: {  	s25 =	simm.s32 @!p1 $0x0  }
0xce: {  	s26 =	sor.u32 $0x1000, s25;
	v3 =	vperm.xlane v3, v2  }
0xcf: {  	[tilespmem:s26], [sflag:$0x2] =	stream.indirect_vreg.gather [hbm4b:s4+s3], $0x80, v4, vm0, $0xb8;
	[tilespmem:$0x19000] =	vst v63  }
0xd0: {  	v3 =	vadd.s32 v1, v3;
	s26 =	sor.u32 $0x1800, s25  }
0xd1: {  	[tilespmem:s26], [sflag:$0x2] =	stream.indirect_vreg.gather [hbm4b:s7+s3], $0x80, v4, vm0, $0xb8;
	[tilespmem:$0x19000] =	vst v63  }
0xd2: {  	s26 =	sor.u32 $0x2000, s25  }
0xd3: {  	[tilespmem:s26], [sflag:$0x2] =	stream.indirect_vreg.gather [hbm4b:s8+s3], $0x80, v4, vm0, $0xb8;
	[tilespmem:$0x19000] =	vst v63  }
0xd4: {  	s26 =	sor.u32 $0x2800, s25  }
0xd5: {  	[tilespmem:s26], [sflag:$0x2] =	stream.indirect_vreg.gather [hbm4b:s4+s3], $0x80, v3, vm0, $0xb8;
	[tilespmem:$0x19000] =	vst v63  }
0xd6: {  	s26 =	sor.u32 $0x3000, s25  }
0xd7: {  	[tilespmem:s26], [sflag:$0x2] =	stream.indirect_vreg.gather [hbm4b:s7+s3], $0x80, v3, vm0, $0xb8;
	[tilespmem:$0x19000] =	vst v63  }
0xd8: {  	s26 =	sor.u32 $0x3800, s25  }
0xd9: {  	[tilespmem:s26], [sflag:$0x2] =	stream.indirect_vreg.gather [hbm4b:s8+s3], $0x80, v3, vm0, $0xb8;
	[tilespmem:$0x19000] =	vst v63  }
0xda: {  	v3 =	vld [tilespmem:s21+$0xFFFFFFE0];
	_ =	sdelay $0x4  }
0xdb: {  	v61 =	vshrl.u32 v3, $0x3  }
0xdc: {  	v4 =	vmul.u32 $0x30, v61  }
0xdd: {  	v3 =	vand.u32 $0x7, v3  }
0xde: {  	v3 =	vor.u32 v3, v4  }
0xdf: {  	v4 =	vperm.xlane v3, v0;
	_ =	sdelay $0x1  }
0xe0: {  	v4 =	vadd.s32 v1, v4;
	_ =	sdelay $0x3  }
0xe1: {  	s26 =	sadd.s32 $0x4000, s25;
	v3 =	vperm.xlane v3, v2  }
0xe2: {  	[tilespmem:s26], [sflag:$0x2] =	stream.indirect_vreg.gather [hbm4b:s4+s3], $0x80, v4, vm0, $0xb8;
	[tilespmem:$0x19000] =	vst v63  }
0xe3: {  	v3 =	vadd.s32 v1, v3;
	s26 =	sadd.s32 $0x4800, s25  }
0xe4: {  	[tilespmem:s26], [sflag:$0x2] =	stream.indirect_vreg.gather [hbm4b:s7+s3], $0x80, v4, vm0, $0xb8;
	[tilespmem:$0x19000] =	vst v63  }
0xe5: {  	s26 =	sadd.s32 $0x5000, s25  }
0xe6: {  	[tilespmem:s26], [sflag:$0x2] =	stream.indirect_vreg.gather [hbm4b:s8+s3], $0x80, v4, vm0, $0xb8;
	[tilespmem:$0x19000] =	vst v63  }
0xe7: {  	s26 =	sadd.s32 $0x5800, s25  }
0xe8: {  	[tilespmem:s26], [sflag:$0x2] =	stream.indirect_vreg.gather [hbm4b:s4+s3], $0x80, v3, vm0, $0xb8;
	[tilespmem:$0x19000] =	vst v63  }
0xe9: {  	s26 =	sadd.s32 $0x6000, s25  }
0xea: {  	[tilespmem:s26], [sflag:$0x2] =	stream.indirect_vreg.gather [hbm4b:s7+s3], $0x80, v3, vm0, $0xb8;
	[tilespmem:$0x19000] =	vst v63  }
0xeb: {  	s26 =	sadd.s32 $0x6800, s25  }
0xec: {  	[tilespmem:s26], [sflag:$0x2] =	stream.indirect_vreg.gather [hbm4b:s8+s3], $0x80, v3, vm0, $0xb8;
	[tilespmem:$0x19000] =	vst v63  }
0xed: {  	v3 =	vld [tilespmem:s21+$0xFFFFFFF0];
	_ =	sdelay $0x4  }
0xee: {  	v62 =	vshrl.u32 v3, $0x3  }
0xef: {  	v4 =	vmul.u32 $0x30, v62  }
0xf0: {  	v3 =	vand.u32 $0x7, v3  }
0xf1: {  	v3 =	vor.u32 v3, v4  }
0xf2: {  	v4 =	vperm.xlane v3, v0;
	_ =	sdelay $0x1  }
0xf3: {  	v4 =	vadd.s32 v1, v4;
	_ =	sdelay $0x3  }
0xf4: {  	s26 =	sadd.s32 $0x7000, s25;
	v3 =	vperm.xlane v3, v2  }
0xf5: {  	[tilespmem:s26], [sflag:$0x2] =	stream.indirect_vreg.gather [hbm4b:s4+s3], $0x80, v4, vm0, $0xb8;
	[tilespmem:$0x19000] =	vst v63  }
0xf6: {  	v3 =	vadd.s32 v1, v3;
	s26 =	sadd.s32 $0x7800, s25  }
0xf7: {  	[tilespmem:s26], [sflag:$0x2] =	stream.indirect_vreg.gather [hbm4b:s7+s3], $0x80, v4, vm0, $0xb8;
	[tilespmem:$0x19000] =	vst v63  }
0xf8: {  	s26 =	sadd.s32 $0x8000, s25  }
0xf9: {  	[tilespmem:s26], [sflag:$0x2] =	stream.indirect_vreg.gather [hbm4b:s8+s3], $0x80, v4, vm0, $0xb8;
	[tilespmem:$0x19000] =	vst v63  }
0xfa: {  	s26 =	sadd.s32 $0x8800, s25  }
0xfb: {  	[tilespmem:s26], [sflag:$0x2] =	stream.indirect_vreg.gather [hbm4b:s4+s3], $0x80, v3, vm0, $0xb8;
	[tilespmem:$0x19000] =	vst v63  }
0xfc: {  	s26 =	sadd.s32 $0x9000, s25  }
0xfd: {  	[tilespmem:s26], [sflag:$0x2] =	stream.indirect_vreg.gather [hbm4b:s7+s3], $0x80, v3, vm0, $0xb8;
	[tilespmem:$0x19000] =	vst v63  }
0xfe: {  	s26 =	sadd.s32 $0x9800, s25  }
0xff: {  	[tilespmem:s26], [sflag:$0x2] =	stream.indirect_vreg.gather [hbm4b:s8+s3], $0x80, v3, vm0, $0xb8;
	[tilespmem:$0x19000] =	vst v63  }
0x100: {  	v3 =	vld [tilespmem:s21+$0x0];
	_ =	sdelay $0x4  }
0x101: {  	v63 =	vshrl.u32 v3, $0x3  }
0x102: {  	v4 =	vmul.u32 $0x30, v63  }
0x103: {  	v3 =	vand.u32 $0x7, v3  }
0x104: {  	v3 =	vor.u32 v3, v4  }
0x105: {  	v4 =	vperm.xlane v3, v0;
	_ =	sdelay $0x1  }
0x106: {  	v4 =	vadd.s32 v1, v4;
	_ =	sdelay $0x3  }
0x107: {  	s26 =	sadd.s32 $0xA000, s25;
	v3 =	vperm.xlane v3, v2  }
0x108: {  	[tilespmem:s26], [sflag:$0x2] =	stream.indirect_vreg.gather [hbm4b:s4+s3], $0x80, v4, vm0, $0xb8;
	[tilespmem:$0x19000] =	vst v63  }
0x109: {  	v3 =	vadd.s32 v1, v3;
	s26 =	sadd.s32 $0xA800, s25  }
0x10a: {  	[tilespmem:s26], [sflag:$0x2] =	stream.indirect_vreg.gather [hbm4b:s7+s3], $0x80, v4, vm0, $0xb8;
	[tilespmem:$0x19000] =	vst v63  }
0x10b: {  	s26 =	sadd.s32 $0xB000, s25  }
0x10c: {  	[tilespmem:s26], [sflag:$0x2] =	stream.indirect_vreg.gather [hbm4b:s8+s3], $0x80, v4, vm0, $0xb8;
	[tilespmem:$0x19000] =	vst v63  }
0x10d: {  	s26 =	sadd.s32 $0xB800, s25  }
0x10e: {  	[tilespmem:s26], [sflag:$0x2] =	stream.indirect_vreg.gather [hbm4b:s4+s3], $0x80, v3, vm0, $0xb8;
	[tilespmem:$0x19000] =	vst v63  }
.Ltmp5:
0x10f: {  	_ = 	snop;
	(pc) =	sbr.rel .LBB2_4-.Ltmp5, $4  }
0x110: {  	s26 =	sadd.s32 $0xC000, s25  }
0x111: {  	[tilespmem:s26], [sflag:$0x2] =	stream.indirect_vreg.gather [hbm4b:s7+s3], $0x80, v3, vm0, $0xb8;
	[tilespmem:$0x19000] =	vst v63  }
0x112: {  	s25 =	sadd.s32 $0xC800, s25  }
0x113: {  	[tilespmem:s25], [sflag:$0x2] =	stream.indirect_vreg.gather [hbm4b:s8+s3], $0x80, v3, vm0, $0xb8;
	[tilespmem:$0x19000] =	vst v63  }
.LBB2_6:
0x114: {  	_ =	sfence.sel $0x180000  }
0x115: {  	[bflag:$0x0] =	sbarrier.arrive $0xFFFF  }
0x116: {  	_ =	strace $0x9000004D  }
0x117: {  	s0 =	stileid.u32;
	[bflag:$0x2] =	sbarrier.arrive $0xFFFF  }
0x118: {  	p0 =	sne.s32 s0, $0x0;
	s0 =	rddreg [dreg:$0x2]  }
0x119: {  	s0 =	sadd.s32 @!p0 $0x100000, s0  }
0x11a: {  	[sflag:s0] =	ssyncadd.tile.s32 @!p0 $0x1;
	_ =	shalt  }
.Lfunc_end2:
_tile_overlayer_lowered:
.L_overlay_start_2:
0x11b: {  	(tag) =	ssettag $0x2  }
0x11c: {  	s0 =	rddreg [dreg:$0x0];
	s2 =	stileid.u32  }
0x11d: {  	s1 =	rddreg [dreg:$0x1];
	p0 =	sne.s32 s2, $0x0  }
0x11e: {  	s3 =	rddreg [dreg:$0x2];
	[bflag:$0x3] =	sbarrier.arrive $0xFFFF;
	s2 =	simm.s32 @!p0 $0x1C04  }
0x11f: {  	[timem:s3], [sflag:s2] =	dma.local @!p0 [hbm:s0], s1  }
0x120: {  	s0 =	simm.s32 @!p0 $0x4  }
0x121: {  	_ =	swait.ge @!p0 [sflag:s0], s1  }
0x122: {  	s1 =	ssub.s32 @!p0 $0x0, s1;
	[sflag:s0] =	ssyncset.done @!p0 $0x0  }
0x123: {  	[sflag:s0] =	ssyncadd.s32 @!p0 s1  }
0x124: {  	[bflag:$0x3] =	sbarrier.arrive $0xFFFF  }
0x125: {  	_ =	shalt  }

// kernel: scatter_offload_async_start
scs
__scs_entry_jumppad:
0x0: {  	(pc) =	sbr.rel $0x88, $3  }
0x1: {  	(tag) =	ssettag $0x0;
	lr =	simm.s32 $0x1  }
0x2: {  	[smem:$0x3F9E] =	sst lr;
	_ =	strace $0xD0000000  }
0x3: {  	_ = 	snop  }
0x4: {  	_ = 	snop  }
0x5: {  	_ = 	snop  }
0x6: {  	_ = 	snop  }
0x7: {  	_ = 	snop  }
__scs_overlays_trampoline_lowered:
0x8: {  	[smem:$0x3FAD] =	sst s0  }
0x9: {  	[smem:$0x3FAE] =	sst s1  }
0xa: {  	[smem:$0x3FAF] =	sst s2  }
0xb: {  	[smem:$0x3FB0] =	sst s3  }
0xc: {  	[smem:$0x3FB1] =	sst s4  }
0xd: {  	[smem:$0x3FB2] =	sst s5  }
0xe: {  	[smem:$0x3FB3] =	sst s6  }
0xf: {  	[smem:$0x3FB4] =	sst s7  }
0x10: {  	[smem:$0x3FB5] =	sst s8  }
0x11: {  	[smem:$0x3FB6] =	sst s9;
	s0 =	simm.s32 @!p0 $0x0  }
0x12: {  	s1 =	sld [smem:$0x3F9C];
	s0 =	simm.s32 @p0 $0x1  }
0x13: {  	[smem:$0x3FB7] =	sst s0;
	s0 =	simm.s32 @!p1 $0x0  }
0x14: {  	s2 =	sld [smem:$0x3F9B];
	s0 =	simm.s32 @p1 $0x1  }
0x15: {  	[smem:$0x3FB8] =	sst s0;
	s0 =	simm.s32 @!p2 $0x0  }
0x16: {  	s3 =	sld [smem:$0x3FDB];
	s0 =	simm.s32 @p2 $0x1  }
0x17: {  	s4 =	simm.s32 $0x1BF5;
	[smem:$0x3FBA] =	sst s0  }
0x18: {  	s0 =	sld [smem:$0x3F9D];
	_ =	swait.ge [sflag:s4], $0x0  }
0x19: {  	s7 =	sld [smem:$0x3F9E]  }
0x1a: {  	s8 =	sadd.s32 $0xFFFFE003, lr  }
0x1b: {  	s9 =	sadd.s32 $0xFFFFFEF7, lr;
	s5 =	simm.s32 $0xFFFFFFFF;
	p2 =	slt.u32 s8, $0xFFFFF086  }
0x1c: {  	p1 =	slt.u32 s9, $0xF7A;
	s5 =	simm.s32 @!p2 $0x0  }
0x1d: {  	s5 =	simm.s32 @p1 $0x1;
	p0 =	seq.s32 s7, s2  }
0x1e: {  	s7 =	smul.u32 @!p0 $0xF7A, s2;
	p2 =	seq.s32 @!p0 s5, $0x0  }
0x1f: {  	s9 =	smul.u32 $0xF7A, s1;
	s8 =	simm.s32 @!p0 $0x1BF5;
	p2 =	por !p2, p0  }
0x20: {  	[sflag:s8] =	ssyncset.s32 @!p0 $0xFFFFF086;
	s6 =	sadd.s32 @!p0 s3, s7;
	s7 =	simm.s32 @!p0 $0x108  }
0x21: {  	s3 =	sadd.s32 s3, s9;
	s6 =	sadd.s32 @!p0 $0x88, s6;
	s7 =	simm.s32 @p2 $0x1082  }
0x22: {  	[simem:s7], [sflag:s8] =	dma.local @!p0 [hbm:s6], $0xF7A  }
0x23: {  	s9 =	sor.u32 $0xD0000000, s2;
	s6 =	simm.s32 $0x108;
	_ =	swait.ge @!p0 [sflag:s8], $0x0  }
0x24: {  	s3 =	sadd.s32 $0x88, s3;
	s6 =	simm.s32 @!p1 $0x1082;
	[sflag:s4] =	ssyncset.s32 $0xFFFFF086  }
0x25: {  	[simem:s6], [sflag:s4] =	dma.local [hbm:s3], $0xF7A  }
0x26: {  	[smem:$0x3F9E] =	sst s1;
	(tag) =	ssettag s2;
	_ =	strace s9  }
0x27: {  	s1 =	sld [smem:$0x3FAE]  }
0x28: {  	s2 =	sld [smem:$0x3FAF]  }
0x29: {  	s4 =	sld [smem:$0x3FB1]  }
0x2a: {  	p0 =	seq.s32 s5, $0x0;
	s5 =	sld [smem:$0x3FB2]  }
0x2b: {  	s6 =	sld [smem:$0x3FB3]  }
0x2c: {  	s7 =	sld [smem:$0x3FB4]  }
0x2d: {  	s3 =	simm.s32 $0x108;
	s8 =	sld [smem:$0x3FB5]  }
0x2e: {  	s3 =	simm.s32 @!p0 $0x1082;
	s9 =	sld [smem:$0x3FB6]  }
0x2f: {  	lr =	sadd.s32 s0, s3;
	s0 =	sld [smem:$0x3FAD]  }
0x30: {  	s3 =	sld [smem:$0x3FB0]  }
0x31: {  	[smem:$0x3FB9] =	sst s10  }
0x32: {  	s10 =	sld [smem:$0x3FB7];
	_ =	sdelay $0x3  }
0x33: {  	p0 =	seq.s32 s10, $0x1;
	s10 =	sld [smem:$0x3FB9];
	_ =	sdelay $0x3  }
0x34: {  	[smem:$0x3FB9] =	sst s10  }
0x35: {  	s10 =	sld [smem:$0x3FB8];
	_ =	sdelay $0x3  }
0x36: {  	p1 =	seq.s32 s10, $0x1;
	s10 =	sld [smem:$0x3FB9];
	_ =	sdelay $0x3  }
0x37: {  	[smem:$0x3FB9] =	sst s10  }
0x38: {  	s10 =	sld [smem:$0x3FBA]  }
0x39: {  	_ = 	snop;
	(pc) =	sbr.ind lr, $3  }
0x3a: {  	_ = 	snop  }
0x3b: {  	_ = 	snop  }
0x3c: {  	p2 =	seq.s32 s10, $0x1;
	s10 =	sld [smem:$0x3FB9]  }
0x3d: {  	_ =	shalt  }
0x3e: {  	_ =	shalt  }
0x3f: {  	_ =	shalt  }
0x40: {  	_ =	shalt  }
0x41: {  	_ =	shalt  }
0x42: {  	_ =	shalt  }
0x43: {  	_ =	shalt  }
0x44: {  	_ =	shalt  }
0x45: {  	_ =	shalt  }
0x46: {  	_ =	shalt  }
0x47: {  	_ =	shalt  }
0x48: {  	_ =	shalt  }
0x49: {  	_ =	shalt  }
0x4a: {  	_ =	shalt  }
0x4b: {  	_ =	shalt  }
0x4c: {  	_ =	shalt  }
0x4d: {  	_ =	shalt  }
0x4e: {  	_ =	shalt  }
0x4f: {  	_ =	shalt  }
0x50: {  	_ =	shalt  }
0x51: {  	_ =	shalt  }
0x52: {  	_ =	shalt  }
0x53: {  	_ =	shalt  }
0x54: {  	_ =	shalt  }
0x55: {  	_ =	shalt  }
0x56: {  	_ =	shalt  }
0x57: {  	_ =	shalt  }
0x58: {  	_ =	shalt  }
0x59: {  	_ =	shalt  }
0x5a: {  	_ =	shalt  }
0x5b: {  	_ =	shalt  }
0x5c: {  	_ =	shalt  }
0x5d: {  	_ =	shalt  }
0x5e: {  	_ =	shalt  }
0x5f: {  	_ =	shalt  }
0x60: {  	_ =	shalt  }
0x61: {  	_ =	shalt  }
0x62: {  	_ =	shalt  }
0x63: {  	_ =	shalt  }
0x64: {  	_ =	shalt  }
0x65: {  	_ =	shalt  }
0x66: {  	_ =	shalt  }
0x67: {  	_ =	shalt  }
0x68: {  	_ =	shalt  }
0x69: {  	_ =	shalt  }
0x6a: {  	_ =	shalt  }
0x6b: {  	_ =	shalt  }
0x6c: {  	_ =	shalt  }
0x6d: {  	_ =	shalt  }
0x6e: {  	_ =	shalt  }
0x6f: {  	_ =	shalt  }
0x70: {  	_ =	shalt  }
0x71: {  	_ =	shalt  }
0x72: {  	_ =	shalt  }
0x73: {  	_ =	shalt  }
0x74: {  	_ =	shalt  }
0x75: {  	_ =	shalt  }
0x76: {  	_ =	shalt  }
0x77: {  	_ =	shalt  }
0x78: {  	_ =	shalt  }
0x79: {  	_ =	shalt  }
0x7a: {  	_ =	shalt  }
0x7b: {  	_ =	shalt  }
0x7c: {  	_ =	shalt  }
0x7d: {  	_ =	shalt  }
0x7e: {  	_ =	shalt  }
0x7f: {  	_ =	shalt  }
0x80: {  	_ =	shalt  }
0x81: {  	_ =	shalt  }
0x82: {  	_ =	shalt  }
0x83: {  	_ =	shalt  }
0x84: {  	_ =	shalt  }
0x85: {  	_ =	shalt  }
0x86: {  	_ =	shalt  }
0x87: {  	_ =	shalt  }
.Lfunc_end0:
.L_simem_size_0:
called_computation_lowered:
.L_overlay_start_0:
0x88: {  	s0 =	sld [smem:$0x3FD9]  }
0x89: {  	s1 =	sld [smem:$0x3FFE];
	_ =	sdelay $0x3  }
0x8a: {  	s0 =	sadd.s32 s1, s0  }
0x8b: {  	[smem:$0x3FC5] =	sst s0  }
0x8c: {  	_ = 	snop  }
0x8d: {  	s0 =	sld [smem:$0x3FD0];
	(tm) =	ssettm $0x1  }
0x8e: {  	s16 =	sld [smem:$0x3FFB];
	_ =	sdelay $0x3  }
0x8f: {  	_ =	strace s16  }
0x90: {  	s1 =	sld [smem:$0x3FFC];
	_ =	sdelay $0x3  }
0x91: {  	_ =	strace s1  }
0x92: {  	s1 =	sld [smem:$0x3FFD];
	_ =	sdelay $0x3  }
0x93: {  	_ =	strace s1  }
0x94: {  	_ =	strace $0x8FFFFFFF  }
0x95: {  	s17 =	sld [smem:$0x3FDB];
	_ =	sdelay $0x1  }
0x96: {  	s2 =	simm.s32 $_scs_section_size  }
0x97: {  	s3 =	simm.s32 $_size__tile_overlayer_lowered;
	s4 =	simm.s32 $_tile_overlayer_lowered  }
0x98: {  	s20 =	simm.s32 $0x1BFF;
	s19 =	sshll.u32 s4, $0x1;
	s1 =	sadd.s32 s2, s17  }
0x99: {  	s5 =	simm.s32 $0x0;
	s18 =	sshll.u32 s3, $0x1;
	s3 =	sadd.s32 s19, s1  }
0x9a: {  	[timem:s5], [sflag:s20] =	dma.local [hbm:s3], s18  }
0x9b: {  	_ =	swait.ge [sflag:s20], s18  }
0x9c: {  	s2 =	ssub.s32 $0x0, s18;
	[sflag:s20] =	ssyncset.done $0x0  }
0x9d: {  	[sflag:s20] =	ssyncadd.s32 s2;
	_ =	sdelay $0x1  }
0x9e: {  	s21 =	simm.s32 $0x1B8B  }
0x9f: {  	_ =	swait.ge [sflag:s21], $0x1  }
0xa0: {  	[sflag:s21] =	ssyncset.done $0x0  }
0xa1: {  	s23 =	simm.s32 $0x1B8E;
	s22 =	sld [smem:$0x3FFE];
	[sflag:s21] =	ssyncadd.s32 $0xFFFFFFFF  }
0xa2: {  	s24 =	simm.s32 $execute0_lowered;
	[smem:$0x3FD2] =	sst s23  }
0xa3: {  	s3 =	sshll.u32 s24, $0x1;
	_ =	strace $0x80000046;
	[dreg:$0x1] =	wrdreg $0xFFFFFFFF  }
0xa4: {  	s25 =	simm.s32 $_size_execute0_lowered;
	s1 =	sadd.s32 s1, s3;
	[dreg:$0x0] =	wrdreg $0x0  }
0xa5: {  	s3 =	sshll.u32 s25, $0x1;
	[dreg:$0x2] =	wrdreg s1  }
0xa6: {  	[dreg:$0x3] =	wrdreg s3  }
0xa7: {  	[dreg:$0x4] =	wrdreg $0xC0  }
0xa8: {  	_ =	task [dreg:s5], $0x5FFFF  }
0xa9: {  	[dreg:$0x1] =	wrdreg $0xFFFFFFFF  }
0xaa: {  	[dreg:$0x0] =	wrdreg $0x60  }
0xab: {  	[dreg:$0x2] =	wrdreg s22  }
0xac: {  	[dreg:$0x3] =	wrdreg s0  }
0xad: {  	[dreg:$0x4] =	wrdreg $0x9  }
0xae: {  	_ =	task.clear_ibuf [dreg:s5], $0x5FFFF;
	_ =	strace $0x90000046  }
0xaf: {  	s26 =	simm.s32 $0x9;
	_ =	strace $0x80000048  }
0xb0: {  	_ =	swait.ge [sflag:s26], $0x1  }
0xb1: {  	[sflag:s26] =	ssyncadd.s32 $0xFFFFFFFF  }
0xb2: {  	_ =	strace $0x90000048  }
0xb3: {  	_ =	sfence  }
0xb4: {  	s28 =	sld [smem:$0x0];
	_ =	sdelay $0x1  }
0xb5: {  	s29 =	srdreg.scid  }
0xb6: {  	s30 =	sshll.u32 s29, $0xD;
	s31 =	sshrl.u32 s29, $0x2  }
0xb7: {  	s2 =	sand.u32 $0x4000, s30;
	s1 =	sand.u32 $0x1, s29;
	s0 =	sadd.s32 s31, s28  }
0xb8: {  	s1 =	sor.u32 s2, s1;
	s0 =	sshll.u32 s0, $0x11  }
0xb9: {  	s0 =	sor.u32 s0, s1  }
0xba: {  	s0 =	sadd.s32 $0x8F2B, s0  }
0xbb: {  	[sflag:s0] =	ssyncadd.remote.s32 $0x1  }
0xbc: {  	_ =	sfence.sel $0xFFFF  }
0xbd: {  	[dreg:$0x0] =	wrdreg $0xFFFFFFFF;
	(pc) =	sbr.abs _section_cstart, $3  }
0xbe: {  	[dreg:$0x1] =	wrdreg $0xFFFFFFFF  }
0xbf: {  	_ =	task.clear_ibuf [dreg:s5], $0x2FFFF;
	_ =	strace $0x9FFFFFFF  }
0xc0: {  	(tm) =	ssettm $0x7FFFFFFF  }
0xc1: {  	_ =	shalt  }
tec
execute0_lowered:
.L_overlay_start_1:
0x0: {  	(tag) =	ssettag $0x1  }
0x1: {  	s2 =	rddreg [dreg:$0x0]  }
0x2: {  	s3 =	rddreg [dreg:$0x1]  }
0x3: {  	s0 =	rddreg [dreg:$0x2];
	_ =	strace $0x80000047;
	s4 =	stileid.u32  }
0x4: {  	s5 =	simm.s32 $0x3E;
	s1 =	sadd.s32 $0x1000, s2;
	p0 =	sne.s32 s4, $0x0  }
0x5: {  	[sflag:s5] =	ssyncpa.u1 $0x0;
	s6 =	simm.s32 @!p0 $0x1C3E;
	s7 =	simm.s32 @!p0 $0x0  }
0x6: {  	[spmem:s7], [sflag:s6] =	dma.local @!p0 [hbm:s1], $0x10  }
0x7: {  	s6 =	simm.s32 @!p0 $0x3E  }
0x8: {  	_ =	swait.ge @!p0 [sflag:s6], $0x10  }
0x9: {  	[sflag:s6] =	ssyncset.done @!p0 $0x0  }
0xa: {  	[sflag:s6] =	ssyncadd.s32 @!p0 $0xFFFFFFF0  }
0xb: {  	s28 =	simm.s32 $0x1;
	s29 =	simm.s32 $0x2;
	[bflag:$0x0] =	sbarrier.arrive $0xFFFF  }
0xc: {  	s31 =	simm.s32 $0x808;
	s30 =	sadd.s32 $0x1200, s2;
	[sflag:s5] =	ssyncpa.u1 $0x1  }
0xd: {  	s4 =	sshll.u32 s4, $0x8;
	s2 =	simm.s32 $0x0;
	[sflag:s28] =	ssyncpa.u1 $0x0  }
0xe: {  	s3 =	sadd.s32 s3, s4;
	(ifvalue) =	ssetifvalue $0x80;
	[sflag:s29] =	ssyncpa.u1 $0x0  }
0xf: {  	[tilespmem:s31], [sflag:$0x2] =	stream.linear.gather [hbm4b:s3+s2], $0x800, $0x38;
	[tilespmem:$0x2008] =	vst v63  }
0x10: {  	s4 =	sadd.s32 s30, s4;
	s3 =	simm.s32 $0x1808  }
0x11: {  	[tilespmem:s3], [sflag:$0x2] =	stream.linear.gather [hbm4b:s4+s2], $0x800, $0x38;
	[tilespmem:$0x2008] =	vst v63  }
0x12: {  	_ =	swait.ge [sflag:s29], $0x1000  }
0x13: {  	[sflag:s29] =	ssyncset.done $0x0  }
0x14: {  	[sflag:s29] =	ssyncadd.s32 $0xFFFFF000  }
0x15: {  	v0 =	vld.msk [tilespmem:s31+$0x0 ss:$0x1], $0xffff;
	_ =	sdelay $0x4  }
0x16: {  	v0 =	vmin.u32 v0, $0x80;
	_ =	sdelay $0x3  }
0x17: {  	vm0 =	vmmov $0xffff;
	s5 =	simm.s32 $0x818;
	s4 =	simm.s32 $0x0  }
0x18: {  	[spmem:s2] =	stream.indirect_vreg.scatter.add.s32 [tilespmem:s3], [sflag:$0x1], $0x1, v0, vm0, $0x4038;
	[tilespmem:$0x2008] =	vst v63  }
.LBB2_1:
0x19: {  	v0 =	vld.msk [tilespmem:s5+$0x0 ss:$0x1], $0xffff;
	s4 =	sadd.s32 $0x10, s4  }
0x1a: {  	p1 =	slt.u32 s4, $0x7F0;
	_ =	sdelay $0x4  }
0x1b: {  	v0 =	vmin.u32 v0, $0x80  }
.Ltmp0:
0x1c: {  	(pc) =	sbr.rel @p1 .LBB2_1-.Ltmp0, $3  }
0x1d: {  	_ =	sdelay $0x1  }
0x1e: {  	s5 =	sadd.s32 $0x10, s5;
	s3 =	sadd.s32 $0x10, s3  }
0x1f: {  	[spmem:s2] =	stream.indirect_vreg.scatter.add.s32 [tilespmem:s3], [sflag:$0x1], $0x1, v0, vm0, $0x4038;
	[tilespmem:$0x2008] =	vst v63  }
0x20: {  	s2 =	simm.s32 $0x1  }
0x21: {  	_ =	swait.ge [sflag:s2], $0x800  }
0x22: {  	[sflag:s2] =	ssyncset.done $0x0  }
0x23: {  	[sflag:s2] =	ssyncadd.s32 $0xFFFFF800  }
0x24: {  	_ =	sfence.sel $0x180000  }
0x25: {  	s3 =	simm.s32 $0x2;
	[bflag:$0x0] =	sbarrier.arrive $0xFFFF  }
0x26: {  	[sflag:s3] =	ssyncpa.u1 $0x1  }
0x27: {  	[sflag:s2] =	ssyncpa.u1 $0x1  }
0x28: {  	_ =	sfence.stream.spmem  }
0x29: {  	s31 =	simm.s32 $0x3D;
	[bflag:$0x0] =	sbarrier.arrive $0xFFFF  }
0x2a: {  	s2 =	simm.s32 @p0 $0x3D;
	[sflag:s31] =	ssyncpa.u1 $0x0  }
0x2b: {  	[sflag:s2] =	ssyncpa.u1 @p0 $0x1  }
0x2c: {  	[bflag:$0x0] =	sbarrier.arrive @p0 $0xFFFF  }
0x2d: {  	_ =	strace @p0 $0x90000047  }
0x2e: {  	s3 =	simm.s32 @!p0 $0x1C3D;
	s2 =	simm.s32 @!p0 $0x0;
	[bflag:$0x2] =	sbarrier.arrive @p0 $0xFFFF  }
0x2f: {  	[hbm:s1], [sflag:s3] =	dma.local @!p0 [spmem:s2], $0x10  }
0x30: {  	s1 =	simm.s32 @!p0 $0x3D  }
0x31: {  	_ =	swait.ge @!p0 [sflag:s1], $0x10  }
0x32: {  	[sflag:s1] =	ssyncset.done @!p0 $0x0  }
0x33: {  	[sflag:s1] =	ssyncadd.s32 @!p0 $0xFFFFFFF0  }
0x34: {  	[sflag:s1] =	ssyncpa.u1 @!p0 $0x1  }
0x35: {  	[bflag:$0x0] =	sbarrier.arrive @!p0 $0xFFFF  }
0x36: {  	_ =	strace @!p0 $0x90000047  }
0x37: {  	s0 =	sadd.s32 @!p0 $0x100000, s0;
	[bflag:$0x2] =	sbarrier.arrive @!p0 $0xFFFF  }
0x38: {  	[sflag:s0] =	ssyncadd.tile.s32 @!p0 $0x1;
	_ =	shalt  }
.Lfunc_end2:
_tile_overlayer_lowered:
.L_overlay_start_2:
0x39: {  	(tag) =	ssettag $0x2  }
0x3a: {  	s0 =	rddreg [dreg:$0x0];
	s2 =	stileid.u32  }
0x3b: {  	s1 =	rddreg [dreg:$0x1];
	p0 =	sne.s32 s2, $0x0  }
0x3c: {  	s3 =	rddreg [dreg:$0x2];
	[bflag:$0x3] =	sbarrier.arrive $0xFFFF;
	s2 =	simm.s32 @!p0 $0x1C01  }
0x3d: {  	[timem:s3], [sflag:s2] =	dma.local @!p0 [hbm:s0], s1  }
0x3e: {  	s0 =	simm.s32 @!p0 $0x1  }
0x3f: {  	_ =	swait.ge @!p0 [sflag:s0], s1  }
0x40: {  	s1 =	ssub.s32 @!p0 $0x0, s1;
	[sflag:s0] =	ssyncset.done @!p0 $0x0  }
0x41: {  	[sflag:s0] =	ssyncadd.s32 @!p0 s1  }
0x42: {  	[bflag:$0x3] =	sbarrier.arrive $0xFFFF  }
0x43: {  	_ =	shalt  }

</sc_bundles>
